<compile_context>
chip_gen: v7x
topology: tpu7x:2x2x1
jax: 0.10.2.dev20260603
libtpu: 0.0.44.dev20260713+nightly
codegen_flags: <defaults>
</compile_context>

<pallas_src>
import jax
import jax.numpy as jnp
from jax.experimental import pallas as pl

N_Q = 8
N_GROUPS = 2
N_CODES = 1024
VQ_DIM = 512
CODE_DIM = VQ_DIM // N_GROUPS
TB = 512
N_TOK = 16 * 2048
GRID = N_TOK // TB


def _rvq_body(xt_ref, cb_ref, wn_ref, qout_ref, idx_ref, ss_ref):
    step = pl.program_id(0)
    x = xt_ref[...]
    r = x
    qsum = jnp.zeros_like(x)
    ss_list = []
    for i in range(N_Q):
        zparts = []
        for g in range(N_GROUPS):
            rg = r[:, g * CODE_DIM:(g + 1) * CODE_DIM]
            a = jnp.sum(rg * rg, axis=1, keepdims=True)
            w = cb_ref[i, g]
            m = jax.lax.dot_general(
                rg, w, (((1,), (1,)), ((), ())),
                precision=jax.lax.Precision.DEFAULT)
            b = wn_ref[i * N_GROUPS + g, :][None, :]
            d = (a + b) - 2.0 * m
            dmin = jnp.min(d, axis=1, keepdims=True)
            iota = jax.lax.broadcasted_iota(jnp.int32, d.shape, 1)
            idx = jnp.min(jnp.where(d == dmin, iota, N_CODES), axis=1)
            idx_ref[0, i * N_GROUPS + g, :] = idx
            onehot = (iota == idx[:, None]).astype(jnp.bfloat16)
            wb0 = w.astype(jnp.bfloat16)
            wb1 = (w - wb0.astype(jnp.float32)).astype(jnp.bfloat16)
            zg = (jax.lax.dot_general(
                onehot, wb0, (((1,), (0,)), ((), ())),
                preferred_element_type=jnp.float32)
                + jax.lax.dot_general(
                onehot, wb1, (((1,), (0,)), ((), ())),
                preferred_element_type=jnp.float32))
            zparts.append(zg)
        z = jnp.concatenate(zparts, axis=1)
        r = r - z
        qsum = qsum + z
        ss_list.append(jnp.sum(r * r))
    qout_ref[...] = qsum
    ss_vec = jnp.stack(ss_list)[:, None] * jnp.ones((1, 128), jnp.float32)

    @pl.when(step == 0)
    def _init():
        ss_ref[...] = jnp.zeros_like(ss_ref)

    ss_ref[...] += ss_vec


def _ce_body(w_ref, out_ref):
    w = w_ref[0]
    gmat = 3.0 * jax.lax.dot_general(
        w, w, (((1,), (1,)), ((), ())), precision=jax.lax.Precision.HIGHEST)
    mx = jnp.max(gmat, axis=1, keepdims=True)
    lse = jnp.log(jnp.sum(jnp.exp(gmat - mx), axis=1, keepdims=True)) + mx
    diag = 3.0 * jnp.sum(w * w, axis=1, keepdims=True)
    out_ref[0] = jnp.full((8, 128), jnp.mean(lse - diag), jnp.float32)


def kernel(xin, codebooks):
    xt = jnp.transpose(xin, (0, 2, 1)).reshape(N_TOK, VQ_DIM)
    wn = jnp.sum(codebooks ** 2, axis=-1).reshape(N_Q * N_GROUPS, N_CODES)

    qout_t, idx_raw, ss_raw = pl.pallas_call(
        _rvq_body,
        grid=(GRID,),
        in_specs=[
            pl.BlockSpec((TB, VQ_DIM), lambda s: (s, 0)),
            pl.BlockSpec((N_Q, N_GROUPS, N_CODES, CODE_DIM),
                         lambda s: (0, 0, 0, 0)),
            pl.BlockSpec((N_Q * N_GROUPS, N_CODES), lambda s: (0, 0)),
        ],
        out_specs=[
            pl.BlockSpec((TB, VQ_DIM), lambda s: (s, 0)),
            pl.BlockSpec((1, N_Q * N_GROUPS, TB), lambda s: (s, 0, 0)),
            pl.BlockSpec((N_Q, 128), lambda s: (0, 0)),
        ],
        out_shape=[
            jax.ShapeDtypeStruct((N_TOK, VQ_DIM), jnp.float32),
            jax.ShapeDtypeStruct((GRID, N_Q * N_GROUPS, TB), jnp.int32),
            jax.ShapeDtypeStruct((N_Q, 128), jnp.float32),
        ],
    )(xt, codebooks, wn)

    ce_out = pl.pallas_call(
        _ce_body,
        grid=(N_GROUPS,),
        in_specs=[pl.BlockSpec((1, N_CODES, CODE_DIM), lambda g: (g, 0, 0))],
        out_specs=pl.BlockSpec((1, 8, 128), lambda g: (g, 0, 0)),
        out_shape=jax.ShapeDtypeStruct((N_GROUPS, 8, 128), jnp.float32),
    )(codebooks[0])

    quantized_out = jnp.transpose(qout_t.reshape(16, 2048, VQ_DIM), (0, 2, 1))
    indices = jnp.transpose(idx_raw, (1, 0, 2)).reshape(N_Q * N_GROUPS, N_TOK)

    numel = jnp.float32(16 * VQ_DIM * 2048)
    msq = ss_raw[:, 0] / numel
    ce = ce_out[:, 0, 0]
    e0 = (ce[0] + ce[1]) * 0.5
    e = jnp.concatenate([e0[None], jnp.zeros((N_Q - 1,), jnp.float32)])
    loss = jnp.mean(0.1 * e + 1.0 * msq + 0.25 * msq)
    return (quantized_out, loss, indices)

# --- scband reference (transcript-rebuilt; emitter-appended) ---
"""Pipeline reference for scband-quantizer-55989193670843 (READ-ONLY COPY).

The authoritative reference and input builder live on the scoring server;
editing this copy changes nothing except your own understanding.
"""

import jax, jax.numpy as jnp
import numpy as np

N_Q = 8
N_GROUPS = 2
N_CODES = 1024
VQ_DIM = 512
CODE_DIM = VQ_DIM // N_GROUPS
CB_LAMBDA = 1.0
CM_LAMBDA = 0.25


def setup_inputs(seed: int = 0) -> dict:
    key = jax.random.key(seed)
    k1, k2 = jax.random.split(key)
    xin = jax.random.normal(k1, (16, VQ_DIM, 2048), dtype=jnp.float32)
    # nn.Embedding weights init: uniform(-1/n_e, 1/n_e), one table per (layer, group)
    codebooks = jax.random.uniform(k2, (N_Q, N_GROUPS, N_CODES, CODE_DIM), dtype=jnp.float32, minval=-1.0 / N_CODES, maxval=1.0 / N_CODES)
    return {"xin": xin, "codebooks": codebooks}


def _quantizer_module(x, w, layer_idx):
    # d = ||x||^2 + ||w||^2 - 2 x w^T
    d = jnp.sum(x ** 2, axis=1, keepdims=True) + jnp.sum(w ** 2, axis=1) - 2.0 * jnp.matmul(x, w.T)
    min_indices = jnp.argmin(d, axis=1)
    z_q = jnp.take(w, min_indices, axis=0)
    embed_dis = jnp.matmul(w, w.T) * 3.0
    target = jnp.arange(w.shape[0])
    # F.cross_entropy(embed_dis, target): mean over rows of (logsumexp(row) - row[target])
    ce = jnp.mean(jax.nn.logsumexp(embed_dis, axis=1) - embed_dis[target, target])
    loss = ce * (1.0 if layer_idx == 0 else 0.0)
    return z_q, min_indices, loss


def reference(xin, codebooks):
    quantized_out = jnp.zeros_like(xin)
    residual = xin
    all_losses = []
    all_indices = []
    for i in range(N_Q):
        # for_one_step
        xt = jnp.transpose(residual, (0, 2, 1))  # [B, T, C]
        x = xt.reshape(-1, VQ_DIM)  # [N, vq_dim]
        zqs = []
        group_losses = []
        for g in range(N_GROUPS):
            xg = x[:, g * CODE_DIM:(g + 1) * CODE_DIM]
            z_q, mi, l = _quantizer_module(xg, codebooks[i, g], i)
            zqs.append(z_q)
            group_losses.append(l)
            all_indices.append(mi)
        z_q = jnp.concatenate(zqs, axis=-1).reshape(xt.shape)
        quantized = jnp.transpose(z_q, (0, 2, 1))  # [B, C, T]
        e_loss = jnp.mean(jnp.stack(group_losses))
        loss_i = (0.1 * e_loss
                  + CB_LAMBDA * jnp.mean((quantized - jax.lax.stop_gradient(residual)) ** 2)
                  + CM_LAMBDA * jnp.mean((jax.lax.stop_gradient(quantized) - residual) ** 2))
        # straight-through estimator
        quantized = residual + jax.lax.stop_gradient(quantized - residual)
        residual = residual - quantized
        quantized_out = quantized_out + quantized
        all_losses.append(loss_i)
    loss = jnp.mean(jnp.stack(all_losses))
    return (quantized_out, loss, jnp.stack(all_indices))

if __name__ == "__main__":
    import jax
    _d = setup_inputs()
    print(jax.jit(kernel)(*tuple(_d.values())))

</pallas_src>

<mosaic_0001>
module attributes {stable_mosaic.version = 14 : i64} {
  func.func @_rvq_body(%arg0: i32, %arg1: memref<512x512xf32, #tpu.memory_space<vmem>>, %arg2: memref<8x2x1024x256xf32, #tpu.memory_space<vmem>>, %arg3: memref<16x1024xf32, #tpu.memory_space<vmem>>, %arg4: memref<512x512xf32, #tpu.memory_space<vmem>>, %arg5: memref<1x16x512xi32, #tpu.memory_space<vmem>>, %arg6: memref<8x128xf32, #tpu.memory_space<vmem>>) attributes {dimension_semantics = [#tpu.dimension_semantics<arbitrary>], iteration_bounds = array<i64: 64>, scalar_prefetch = 0 : i64, scratch_operands = 0 : i64, tpu.core_type = #tpu.core_type<tc>, window_params = [{transform_indices = @transform_0, window_bounds = array<i64: 512, 512>}, {pipeline_mode = #tpu.pipeline_mode<synchronous>, transform_indices = @transform_1, window_bounds = array<i64: 8, 2, 1024, 256>}, {pipeline_mode = #tpu.pipeline_mode<synchronous>, transform_indices = @transform_2, window_bounds = array<i64: 16, 1024>}, {transform_indices = @transform_3, window_bounds = array<i64: 512, 512>}, {transform_indices = @transform_4, window_bounds = array<i64: 1, 16, 512>}, {pipeline_mode = #tpu.pipeline_mode<synchronous>, transform_indices = @transform_5, window_bounds = array<i64: 8, 128>}]} {
    %get3A = arith.constant 0 : index
    %get3A_0 = arith.constant 0 : index
    %get3A_1 = vector.load %arg1[%get3A, %get3A_0] : memref<512x512xf32, #tpu.memory_space<vmem>>, vector<512x512xf32>
    %broadcast_in_dim3A = arith.constant 0.000000e+00 : f32
    %broadcast_in_dim3A_2 = vector.broadcast %broadcast_in_dim3A : f32 to vector<512x512xf32>
    %slice3A = vector.extract_strided_slice %get3A_1 {offsets = [0, 0], sizes = [512, 256], strides = [1, 1]} : vector<512x512xf32> to vector<512x256xf32>
    %mul3A = arith.mulf %slice3A, %slice3A : vector<512x256xf32>
    %reduce_sum3A = arith.constant dense<0.000000e+00> : vector<512xf32>
    %reduce_sum3A_3 = vector.multi_reduction <add>, %mul3A, %reduce_sum3A [1] : vector<512x256xf32> to vector<512xf32>
    %broadcast_in_dim3A_4 = vector.shape_cast %reduce_sum3A_3 : vector<512xf32> to vector<512x1xf32>
    %get3A_5 = arith.constant 0 : index
    %get3A_6 = arith.constant 0 : index
    %get3A_7 = arith.constant 0 : index
    %get3A_8 = arith.constant 0 : index
    %get3A_9 = vector.load %arg2[%get3A_5, %get3A_6, %get3A_7, %get3A_8] : memref<8x2x1024x256xf32, #tpu.memory_space<vmem>>, vector<1x1x1024x256xf32>
    %get3A_10 = vector.shape_cast %get3A_9 : vector<1x1x1024x256xf32> to vector<1024x256xf32>
    %dot_general3A = arith.constant dense<0.000000e+00> : vector<512x1024xf32>
    %dot_general3A_11 = tpu.matmul %slice3A, %get3A_10, %dot_general3A {dimension_numbers = #tpu.dot_dimension_numbers<[1], [1], [0], [0], [0, 0, 1, 0], [], []>, transpose_lhs_hint = false} : vector<512x256xf32>, vector<1024x256xf32>, vector<512x1024xf32> -> vector<512x1024xf32>
    %get3A_12 = arith.constant 0 : index
    %get3A_13 = arith.constant 0 : index
    %get3A_14 = vector.load %arg3[%get3A_12, %get3A_13] : memref<16x1024xf32, #tpu.memory_space<vmem>>, vector<1x1024xf32>
    %get3A_15 = vector.shape_cast %get3A_14 : vector<1x1024xf32> to vector<1024xf32>
    %broadcast_in_dim3A_16 = vector.shape_cast %get3A_15 : vector<1024xf32> to vector<1x1024xf32>
    %add3A = vector.broadcast %broadcast_in_dim3A_4 : vector<512x1xf32> to vector<512x1024xf32>
    %add3A_17 = vector.broadcast %broadcast_in_dim3A_16 : vector<1x1024xf32> to vector<512x1024xf32>
    %add3A_18 = arith.addf %add3A, %add3A_17 : vector<512x1024xf32>
    %mul3A_19 = arith.constant 2.000000e+00 : f32
    %mul3A_20 = vector.broadcast %mul3A_19 : f32 to vector<512x1024xf32>
    %mul3A_21 = arith.mulf %mul3A_20, %dot_general3A_11 : vector<512x1024xf32>
    %sub3A = arith.subf %add3A_18, %mul3A_21 : vector<512x1024xf32>
    %reduce_min3A = arith.constant dense<0x7F800000> : vector<512xf32>
    %reduce_min3A_22 = vector.multi_reduction <minimumf>, %sub3A, %reduce_min3A [1] : vector<512x1024xf32> to vector<512xf32>
    %broadcast_in_dim3A_23 = vector.shape_cast %reduce_min3A_22 : vector<512xf32> to vector<512x1xf32>
    %iota3A = tpu.iota {dimensions = array<i32: 1>} : vector<512x1024xi32>
    %eq3A = vector.broadcast %broadcast_in_dim3A_23 : vector<512x1xf32> to vector<512x1024xf32>
    %eq3A_24 = arith.cmpf oeq, %sub3A, %eq3A : vector<512x1024xf32>
    %jit3A = arith.constant 1024 : i32
    %broadcast_in_dim3A_25 = vector.broadcast %jit3A : i32 to vector<512x1024xi32>
    %select_n3A = arith.select %eq3A_24, %iota3A, %broadcast_in_dim3A_25 : vector<512x1024xi1>, vector<512x1024xi32>
    %reduce_min3A_26 = arith.constant dense<2147483647> : vector<512xi32>
    %reduce_min3A_27 = vector.multi_reduction <minsi>, %select_n3A, %reduce_min3A_26 [1] : vector<512x1024xi32> to vector<512xi32>
    %swap3A = arith.constant 0 : index
    %swap3A_28 = arith.constant 0 : index
    %swap3A_29 = arith.constant 0 : index
    %swap3A_30 = vector.load %arg5[%swap3A, %swap3A_28, %swap3A_29] : memref<1x16x512xi32, #tpu.memory_space<vmem>>, vector<1x1x512xi32>
    %swap3A_31 = vector.shape_cast %swap3A_30 : vector<1x1x512xi32> to vector<512xi32>
    %swap3A_32 = vector.shape_cast %reduce_min3A_27 : vector<512xi32> to vector<1x1x512xi32>
    tpu.vector_store %arg5[%swap3A, %swap3A_28, %swap3A_29], %swap3A_32 {strides = array<i32>} : memref<1x16x512xi32, #tpu.memory_space<vmem>>, vector<1x1x512xi32>,
    %broadcast_in_dim3A_33 = vector.shape_cast %reduce_min3A_27 : vector<512xi32> to vector<512x1xi32>
    %eq3A_34 = vector.broadcast %broadcast_in_dim3A_33 : vector<512x1xi32> to vector<512x1024xi32>
    %eq3A_35 = arith.cmpi eq, %iota3A, %eq3A_34 : vector<512x1024xi32>
    %convert_element_type3A = arith.extui %eq3A_35 : vector<512x1024xi1> to vector<512x1024xi32>
    %convert_element_type3A_36 = arith.sitofp %convert_element_type3A : vector<512x1024xi32> to vector<512x1024xf32>
    %convert_element_type3A_37 = arith.truncf %convert_element_type3A_36 : vector<512x1024xf32> to vector<512x1024xbf16>
    %convert_element_type3A_38 = arith.truncf %get3A_10 : vector<1024x256xf32> to vector<1024x256xbf16>
    %convert_element_type3A_39 = arith.extf %convert_element_type3A_38 : vector<1024x256xbf16> to vector<1024x256xf32>
    %sub3A_40 = arith.subf %get3A_10, %convert_element_type3A_39 : vector<1024x256xf32>
    %convert_element_type3A_41 = arith.truncf %sub3A_40 : vector<1024x256xf32> to vector<1024x256xbf16>
    %dot_general3A_42 = arith.constant dense<0.000000e+00> : vector<512x256xf32>
    %dot_general3A_43 = tpu.matmul %convert_element_type3A_37, %convert_element_type3A_38, %dot_general3A_42 {dimension_numbers = #tpu.dot_dimension_numbers<[1], [0], [0], [1], [0, 0, 1, 1], [], []>, transpose_lhs_hint = false} : vector<512x1024xbf16>, vector<1024x256xbf16>, vector<512x256xf32> -> vector<512x256xf32>
    %dot_general3A_44 = arith.constant dense<0.000000e+00> : vector<512x256xf32>
    %dot_general3A_45 = tpu.matmul %convert_element_type3A_37, %convert_element_type3A_41, %dot_general3A_44 {dimension_numbers = #tpu.dot_dimension_numbers<[1], [0], [0], [1], [0, 0, 1, 1], [], []>, transpose_lhs_hint = false} : vector<512x1024xbf16>, vector<1024x256xbf16>, vector<512x256xf32> -> vector<512x256xf32>
    %add3A_46 = arith.addf %dot_general3A_43, %dot_general3A_45 : vector<512x256xf32>
    %slice3A_47 = vector.extract_strided_slice %get3A_1 {offsets = [0, 256], sizes = [512, 256], strides = [1, 1]} : vector<512x512xf32> to vector<512x256xf32>
    %mul3A_48 = arith.mulf %slice3A_47, %slice3A_47 : vector<512x256xf32>
    %reduce_sum3A_49 = arith.constant dense<0.000000e+00> : vector<512xf32>
    %reduce_sum3A_50 = vector.multi_reduction <add>, %mul3A_48, %reduce_sum3A_49 [1] : vector<512x256xf32> to vector<512xf32>
    %broadcast_in_dim3A_51 = vector.shape_cast %reduce_sum3A_50 : vector<512xf32> to vector<512x1xf32>
    %get3A_52 = arith.constant 0 : index
    %get3A_53 = arith.constant 1 : index
    %get3A_54 = arith.constant 0 : index
    %get3A_55 = arith.constant 0 : index
    %get3A_56 = vector.load %arg2[%get3A_52, %get3A_53, %get3A_54, %get3A_55] : memref<8x2x1024x256xf32, #tpu.memory_space<vmem>>, vector<1x1x1024x256xf32>
    %get3A_57 = vector.shape_cast %get3A_56 : vector<1x1x1024x256xf32> to vector<1024x256xf32>
    %dot_general3A_58 = arith.constant dense<0.000000e+00> : vector<512x1024xf32>
    %dot_general3A_59 = tpu.matmul %slice3A_47, %get3A_57, %dot_general3A_58 {dimension_numbers = #tpu.dot_dimension_numbers<[1], [1], [0], [0], [0, 0, 1, 0], [], []>, transpose_lhs_hint = false} : vector<512x256xf32>, vector<1024x256xf32>, vector<512x1024xf32> -> vector<512x1024xf32>
    %get3A_60 = arith.constant 1 : index
    %get3A_61 = arith.constant 0 : index
    %get3A_62 = vector.load %arg3[%get3A_60, %get3A_61] : memref<16x1024xf32, #tpu.memory_space<vmem>>, vector<1x1024xf32>
    %get3A_63 = vector.shape_cast %get3A_62 : vector<1x1024xf32> to vector<1024xf32>
    %broadcast_in_dim3A_64 = vector.shape_cast %get3A_63 : vector<1024xf32> to vector<1x1024xf32>
    %add3A_65 = vector.broadcast %broadcast_in_dim3A_51 : vector<512x1xf32> to vector<512x1024xf32>
    %add3A_66 = vector.broadcast %broadcast_in_dim3A_64 : vector<1x1024xf32> to vector<512x1024xf32>
    %add3A_67 = arith.addf %add3A_65, %add3A_66 : vector<512x1024xf32>
    %mul3A_68 = arith.constant 2.000000e+00 : f32
    %mul3A_69 = vector.broadcast %mul3A_68 : f32 to vector<512x1024xf32>
    %mul3A_70 = arith.mulf %mul3A_69, %dot_general3A_59 : vector<512x1024xf32>
    %sub3A_71 = arith.subf %add3A_67, %mul3A_70 : vector<512x1024xf32>
    %reduce_min3A_72 = arith.constant dense<0x7F800000> : vector<512xf32>
    %reduce_min3A_73 = vector.multi_reduction <minimumf>, %sub3A_71, %reduce_min3A_72 [1] : vector<512x1024xf32> to vector<512xf32>
    %broadcast_in_dim3A_74 = vector.shape_cast %reduce_min3A_73 : vector<512xf32> to vector<512x1xf32>
    %iota3A_75 = tpu.iota {dimensions = array<i32: 1>} : vector<512x1024xi32>
    %eq3A_76 = vector.broadcast %broadcast_in_dim3A_74 : vector<512x1xf32> to vector<512x1024xf32>
    %eq3A_77 = arith.cmpf oeq, %sub3A_71, %eq3A_76 : vector<512x1024xf32>
    %jit3A_78 = arith.constant 1024 : i32
    %broadcast_in_dim3A_79 = vector.broadcast %jit3A_78 : i32 to vector<512x1024xi32>
    %select_n3A_80 = arith.select %eq3A_77, %iota3A_75, %broadcast_in_dim3A_79 : vector<512x1024xi1>, vector<512x1024xi32>
    %reduce_min3A_81 = arith.constant dense<2147483647> : vector<512xi32>
    %reduce_min3A_82 = vector.multi_reduction <minsi>, %select_n3A_80, %reduce_min3A_81 [1] : vector<512x1024xi32> to vector<512xi32>
    %swap3A_83 = arith.constant 0 : index
    %swap3A_84 = arith.constant 1 : index
    %swap3A_85 = arith.constant 0 : index
    %swap3A_86 = vector.load %arg5[%swap3A_83, %swap3A_84, %swap3A_85] : memref<1x16x512xi32, #tpu.memory_space<vmem>>, vector<1x1x512xi32>
    %swap3A_87 = vector.shape_cast %swap3A_86 : vector<1x1x512xi32> to vector<512xi32>
    %swap3A_88 = vector.shape_cast %reduce_min3A_82 : vector<512xi32> to vector<1x1x512xi32>
    tpu.vector_store %arg5[%swap3A_83, %swap3A_84, %swap3A_85], %swap3A_88 {strides = array<i32>} : memref<1x16x512xi32, #tpu.memory_space<vmem>>, vector<1x1x512xi32>,
    %broadcast_in_dim3A_89 = vector.shape_cast %reduce_min3A_82 : vector<512xi32> to vector<512x1xi32>
    %eq3A_90 = vector.broadcast %broadcast_in_dim3A_89 : vector<512x1xi32> to vector<512x1024xi32>
    %eq3A_91 = arith.cmpi eq, %iota3A_75, %eq3A_90 : vector<512x1024xi32>
    %convert_element_type3A_92 = arith.extui %eq3A_91 : vector<512x1024xi1> to vector<512x1024xi32>
    %convert_element_type3A_93 = arith.sitofp %convert_element_type3A_92 : vector<512x1024xi32> to vector<512x1024xf32>
    %convert_element_type3A_94 = arith.truncf %convert_element_type3A_93 : vector<512x1024xf32> to vector<512x1024xbf16>
    %convert_element_type3A_95 = arith.truncf %get3A_57 : vector<1024x256xf32> to vector<1024x256xbf16>
    %convert_element_type3A_96 = arith.extf %convert_element_type3A_95 : vector<1024x256xbf16> to vector<1024x256xf32>
    %sub3A_97 = arith.subf %get3A_57, %convert_element_type3A_96 : vector<1024x256xf32>
    %convert_element_type3A_98 = arith.truncf %sub3A_97 : vector<1024x256xf32> to vector<1024x256xbf16>
    %dot_general3A_99 = arith.constant dense<0.000000e+00> : vector<512x256xf32>
    %dot_general3A_100 = tpu.matmul %convert_element_type3A_94, %convert_element_type3A_95, %dot_general3A_99 {dimension_numbers = #tpu.dot_dimension_numbers<[1], [0], [0], [1], [0, 0, 1, 1], [], []>, transpose_lhs_hint = false} : vector<512x1024xbf16>, vector<1024x256xbf16>, vector<512x256xf32> -> vector<512x256xf32>
    %dot_general3A_101 = arith.constant dense<0.000000e+00> : vector<512x256xf32>
    %dot_general3A_102 = tpu.matmul %convert_element_type3A_94, %convert_element_type3A_98, %dot_general3A_101 {dimension_numbers = #tpu.dot_dimension_numbers<[1], [0], [0], [1], [0, 0, 1, 1], [], []>, transpose_lhs_hint = false} : vector<512x1024xbf16>, vector<1024x256xbf16>, vector<512x256xf32> -> vector<512x256xf32>
    %add3A_103 = arith.addf %dot_general3A_100, %dot_general3A_102 : vector<512x256xf32>
    %concatenate3A = tpu.concatenate %add3A_46, %add3A_103 in 1 : vector<512x256xf32>, vector<512x256xf32> -> vector<512x512xf32>
    %sub3A_104 = arith.subf %get3A_1, %concatenate3A : vector<512x512xf32>
    %add3A_105 = arith.addf %broadcast_in_dim3A_2, %concatenate3A : vector<512x512xf32>
    %mul3A_106 = arith.mulf %sub3A_104, %sub3A_104 : vector<512x512xf32>
    %reduce_sum3A_107 = vector.shape_cast %mul3A_106 : vector<512x512xf32> to vector<1x512x512xf32>
    %reduce_sum3A_108 = arith.constant dense<0.000000e+00> : vector<1xf32>
    %reduce_sum3A_109 = vector.multi_reduction <add>, %reduce_sum3A_107, %reduce_sum3A_108 [1, 2] : vector<1x512x512xf32> to vector<1xf32>
    %reduce_sum3A_110 = vector.shape_cast %reduce_sum3A_109 : vector<1xf32> to vector<1x1x1xf32>
    %reduce_sum3A_111 = vector.extract %reduce_sum3A_110[0, 0, 0] : f32 from vector<1x1x1xf32>
    %slice3A_112 = vector.extract_strided_slice %sub3A_104 {offsets = [0, 0], sizes = [512, 256], strides = [1, 1]} : vector<512x512xf32> to vector<512x256xf32>
    %mul3A_113 = arith.mulf %slice3A_112, %slice3A_112 : vector<512x256xf32>
    %reduce_sum3A_114 = arith.constant dense<0.000000e+00> : vector<512xf32>
    %reduce_sum3A_115 = vector.multi_reduction <add>, %mul3A_113, %reduce_sum3A_114 [1] : vector<512x256xf32> to vector<512xf32>
    %broadcast_in_dim3A_116 = vector.shape_cast %reduce_sum3A_115 : vector<512xf32> to vector<512x1xf32>
    %get3A_117 = arith.constant 1 : index
    %get3A_118 = arith.constant 0 : index
    %get3A_119 = arith.constant 0 : index
    %get3A_120 = arith.constant 0 : index
    %get3A_121 = vector.load %arg2[%get3A_117, %get3A_118, %get3A_119, %get3A_120] : memref<8x2x1024x256xf32, #tpu.memory_space<vmem>>, vector<1x1x1024x256xf32>
    %get3A_122 = vector.shape_cast %get3A_121 : vector<1x1x1024x256xf32> to vector<1024x256xf32>
    %dot_general3A_123 = arith.constant dense<0.000000e+00> : vector<512x1024xf32>
    %dot_general3A_124 = tpu.matmul %slice3A_112, %get3A_122, %dot_general3A_123 {dimension_numbers = #tpu.dot_dimension_numbers<[1], [1], [0], [0], [0, 0, 1, 0], [], []>, transpose_lhs_hint = false} : vector<512x256xf32>, vector<1024x256xf32>, vector<512x1024xf32> -> vector<512x1024xf32>
    %get3A_125 = arith.constant 2 : index
    %get3A_126 = arith.constant 0 : index
    %get3A_127 = vector.load %arg3[%get3A_125, %get3A_126] : memref<16x1024xf32, #tpu.memory_space<vmem>>, vector<1x1024xf32>
    %get3A_128 = vector.shape_cast %get3A_127 : vector<1x1024xf32> to vector<1024xf32>
    %broadcast_in_dim3A_129 = vector.shape_cast %get3A_128 : vector<1024xf32> to vector<1x1024xf32>
    %add3A_130 = vector.broadcast %broadcast_in_dim3A_116 : vector<512x1xf32> to vector<512x1024xf32>
    %add3A_131 = vector.broadcast %broadcast_in_dim3A_129 : vector<1x1024xf32> to vector<512x1024xf32>
    %add3A_132 = arith.addf %add3A_130, %add3A_131 : vector<512x1024xf32>
    %mul3A_133 = arith.constant 2.000000e+00 : f32
    %mul3A_134 = vector.broadcast %mul3A_133 : f32 to vector<512x1024xf32>
    %mul3A_135 = arith.mulf %mul3A_134, %dot_general3A_124 : vector<512x1024xf32>
    %sub3A_136 = arith.subf %add3A_132, %mul3A_135 : vector<512x1024xf32>
    %reduce_min3A_137 = arith.constant dense<0x7F800000> : vector<512xf32>
    %reduce_min3A_138 = vector.multi_reduction <minimumf>, %sub3A_136, %reduce_min3A_137 [1] : vector<512x1024xf32> to vector<512xf32>
    %broadcast_in_dim3A_139 = vector.shape_cast %reduce_min3A_138 : vector<512xf32> to vector<512x1xf32>
    %iota3A_140 = tpu.iota {dimensions = array<i32: 1>} : vector<512x1024xi32>
    %eq3A_141 = vector.broadcast %broadcast_in_dim3A_139 : vector<512x1xf32> to vector<512x1024xf32>
    %eq3A_142 = arith.cmpf oeq, %sub3A_136, %eq3A_141 : vector<512x1024xf32>
    %jit3A_143 = arith.constant 1024 : i32
    %broadcast_in_dim3A_144 = vector.broadcast %jit3A_143 : i32 to vector<512x1024xi32>
    %select_n3A_145 = arith.select %eq3A_142, %iota3A_140, %broadcast_in_dim3A_144 : vector<512x1024xi1>, vector<512x1024xi32>
    %reduce_min3A_146 = arith.constant dense<2147483647> : vector<512xi32>
    %reduce_min3A_147 = vector.multi_reduction <minsi>, %select_n3A_145, %reduce_min3A_146 [1] : vector<512x1024xi32> to vector<512xi32>
    %swap3A_148 = arith.constant 0 : index
    %swap3A_149 = arith.constant 2 : index
    %swap3A_150 = arith.constant 0 : index
    %swap3A_151 = vector.load %arg5[%swap3A_148, %swap3A_149, %swap3A_150] : memref<1x16x512xi32, #tpu.memory_space<vmem>>, vector<1x1x512xi32>
    %swap3A_152 = vector.shape_cast %swap3A_151 : vector<1x1x512xi32> to vector<512xi32>
    %swap3A_153 = vector.shape_cast %reduce_min3A_147 : vector<512xi32> to vector<1x1x512xi32>
    tpu.vector_store %arg5[%swap3A_148, %swap3A_149, %swap3A_150], %swap3A_153 {strides = array<i32>} : memref<1x16x512xi32, #tpu.memory_space<vmem>>, vector<1x1x512xi32>,
    %broadcast_in_dim3A_154 = vector.shape_cast %reduce_min3A_147 : vector<512xi32> to vector<512x1xi32>
    %eq3A_155 = vector.broadcast %broadcast_in_dim3A_154 : vector<512x1xi32> to vector<512x1024xi32>
    %eq3A_156 = arith.cmpi eq, %iota3A_140, %eq3A_155 : vector<512x1024xi32>
    %convert_element_type3A_157 = arith.extui %eq3A_156 : vector<512x1024xi1> to vector<512x1024xi32>
    %convert_element_type3A_158 = arith.sitofp %convert_element_type3A_157 : vector<512x1024xi32> to vector<512x1024xf32>
    %convert_element_type3A_159 = arith.truncf %convert_element_type3A_158 : vector<512x1024xf32> to vector<512x1024xbf16>
    %convert_element_type3A_160 = arith.truncf %get3A_122 : vector<1024x256xf32> to vector<1024x256xbf16>
    %convert_element_type3A_161 = arith.extf %convert_element_type3A_160 : vector<1024x256xbf16> to vector<1024x256xf32>
    %sub3A_162 = arith.subf %get3A_122, %convert_element_type3A_161 : vector<1024x256xf32>
    %convert_element_type3A_163 = arith.truncf %sub3A_162 : vector<1024x256xf32> to vector<1024x256xbf16>
    %dot_general3A_164 = arith.constant dense<0.000000e+00> : vector<512x256xf32>
    %dot_general3A_165 = tpu.matmul %convert_element_type3A_159, %convert_element_type3A_160, %dot_general3A_164 {dimension_numbers = #tpu.dot_dimension_numbers<[1], [0], [0], [1], [0, 0, 1, 1], [], []>, transpose_lhs_hint = false} : vector<512x1024xbf16>, vector<1024x256xbf16>, vector<512x256xf32> -> vector<512x256xf32>
    %dot_general3A_166 = arith.constant dense<0.000000e+00> : vector<512x256xf32>
    %dot_general3A_167 = tpu.matmul %convert_element_type3A_159, %convert_element_type3A_163, %dot_general3A_166 {dimension_numbers = #tpu.dot_dimension_numbers<[1], [0], [0], [1], [0, 0, 1, 1], [], []>, transpose_lhs_hint = false} : vector<512x1024xbf16>, vector<1024x256xbf16>, vector<512x256xf32> -> vector<512x256xf32>
    %add3A_168 = arith.addf %dot_general3A_165, %dot_general3A_167 : vector<512x256xf32>
    %slice3A_169 = vector.extract_strided_slice %sub3A_104 {offsets = [0, 256], sizes = [512, 256], strides = [1, 1]} : vector<512x512xf32> to vector<512x256xf32>
    %mul3A_170 = arith.mulf %slice3A_169, %slice3A_169 : vector<512x256xf32>
    %reduce_sum3A_171 = arith.constant dense<0.000000e+00> : vector<512xf32>
    %reduce_sum3A_172 = vector.multi_reduction <add>, %mul3A_170, %reduce_sum3A_171 [1] : vector<512x256xf32> to vector<512xf32>
    %broadcast_in_dim3A_173 = vector.shape_cast %reduce_sum3A_172 : vector<512xf32> to vector<512x1xf32>
    %get3A_174 = arith.constant 1 : index
    %get3A_175 = arith.constant 1 : index
    %get3A_176 = arith.constant 0 : index
    %get3A_177 = arith.constant 0 : index
    %get3A_178 = vector.load %arg2[%get3A_174, %get3A_175, %get3A_176, %get3A_177] : memref<8x2x1024x256xf32, #tpu.memory_space<vmem>>, vector<1x1x1024x256xf32>
    %get3A_179 = vector.shape_cast %get3A_178 : vector<1x1x1024x256xf32> to vector<1024x256xf32>
    %dot_general3A_180 = arith.constant dense<0.000000e+00> : vector<512x1024xf32>
    %dot_general3A_181 = tpu.matmul %slice3A_169, %get3A_179, %dot_general3A_180 {dimension_numbers = #tpu.dot_dimension_numbers<[1], [1], [0], [0], [0, 0, 1, 0], [], []>, transpose_lhs_hint = false} : vector<512x256xf32>, vector<1024x256xf32>, vector<512x1024xf32> -> vector<512x1024xf32>
    %get3A_182 = arith.constant 3 : index
    %get3A_183 = arith.constant 0 : index
    %get3A_184 = vector.load %arg3[%get3A_182, %get3A_183] : memref<16x1024xf32, #tpu.memory_space<vmem>>, vector<1x1024xf32>
    %get3A_185 = vector.shape_cast %get3A_184 : vector<1x1024xf32> to vector<1024xf32>
    %broadcast_in_dim3A_186 = vector.shape_cast %get3A_185 : vector<1024xf32> to vector<1x1024xf32>
    %add3A_187 = vector.broadcast %broadcast_in_dim3A_173 : vector<512x1xf32> to vector<512x1024xf32>
    %add3A_188 = vector.broadcast %broadcast_in_dim3A_186 : vector<1x1024xf32> to vector<512x1024xf32>
    %add3A_189 = arith.addf %add3A_187, %add3A_188 : vector<512x1024xf32>
    %mul3A_190 = arith.constant 2.000000e+00 : f32
    %mul3A_191 = vector.broadcast %mul3A_190 : f32 to vector<512x1024xf32>
    %mul3A_192 = arith.mulf %mul3A_191, %dot_general3A_181 : vector<512x1024xf32>
    %sub3A_193 = arith.subf %add3A_189, %mul3A_192 : vector<512x1024xf32>
    %reduce_min3A_194 = arith.constant dense<0x7F800000> : vector<512xf32>
    %reduce_min3A_195 = vector.multi_reduction <minimumf>, %sub3A_193, %reduce_min3A_194 [1] : vector<512x1024xf32> to vector<512xf32>
    %broadcast_in_dim3A_196 = vector.shape_cast %reduce_min3A_195 : vector<512xf32> to vector<512x1xf32>
    %iota3A_197 = tpu.iota {dimensions = array<i32: 1>} : vector<512x1024xi32>
    %eq3A_198 = vector.broadcast %broadcast_in_dim3A_196 : vector<512x1xf32> to vector<512x1024xf32>
    %eq3A_199 = arith.cmpf oeq, %sub3A_193, %eq3A_198 : vector<512x1024xf32>
    %jit3A_200 = arith.constant 1024 : i32
    %broadcast_in_dim3A_201 = vector.broadcast %jit3A_200 : i32 to vector<512x1024xi32>
    %select_n3A_202 = arith.select %eq3A_199, %iota3A_197, %broadcast_in_dim3A_201 : vector<512x1024xi1>, vector<512x1024xi32>
    %reduce_min3A_203 = arith.constant dense<2147483647> : vector<512xi32>
    %reduce_min3A_204 = vector.multi_reduction <minsi>, %select_n3A_202, %reduce_min3A_203 [1] : vector<512x1024xi32> to vector<512xi32>
    %swap3A_205 = arith.constant 0 : index
    %swap3A_206 = arith.constant 3 : index
    %swap3A_207 = arith.constant 0 : index
    %swap3A_208 = vector.load %arg5[%swap3A_205, %swap3A_206, %swap3A_207] : memref<1x16x512xi32, #tpu.memory_space<vmem>>, vector<1x1x512xi32>
    %swap3A_209 = vector.shape_cast %swap3A_208 : vector<1x1x512xi32> to vector<512xi32>
    %swap3A_210 = vector.shape_cast %reduce_min3A_204 : vector<512xi32> to vector<1x1x512xi32>
    tpu.vector_store %arg5[%swap3A_205, %swap3A_206, %swap3A_207], %swap3A_210 {strides = array<i32>} : memref<1x16x512xi32, #tpu.memory_space<vmem>>, vector<1x1x512xi32>,
    %broadcast_in_dim3A_211 = vector.shape_cast %reduce_min3A_204 : vector<512xi32> to vector<512x1xi32>
    %eq3A_212 = vector.broadcast %broadcast_in_dim3A_211 : vector<512x1xi32> to vector<512x1024xi32>
    %eq3A_213 = arith.cmpi eq, %iota3A_197, %eq3A_212 : vector<512x1024xi32>
    %convert_element_type3A_214 = arith.extui %eq3A_213 : vector<512x1024xi1> to vector<512x1024xi32>
    %convert_element_type3A_215 = arith.sitofp %convert_element_type3A_214 : vector<512x1024xi32> to vector<512x1024xf32>
    %convert_element_type3A_216 = arith.truncf %convert_element_type3A_215 : vector<512x1024xf32> to vector<512x1024xbf16>
    %convert_element_type3A_217 = arith.truncf %get3A_179 : vector<1024x256xf32> to vector<1024x256xbf16>
    %convert_element_type3A_218 = arith.extf %convert_element_type3A_217 : vector<1024x256xbf16> to vector<1024x256xf32>
    %sub3A_219 = arith.subf %get3A_179, %convert_element_type3A_218 : vector<1024x256xf32>
    %convert_element_type3A_220 = arith.truncf %sub3A_219 : vector<1024x256xf32> to vector<1024x256xbf16>
    %dot_general3A_221 = arith.constant dense<0.000000e+00> : vector<512x256xf32>
    %dot_general3A_222 = tpu.matmul %convert_element_type3A_216, %convert_element_type3A_217, %dot_general3A_221 {dimension_numbers = #tpu.dot_dimension_numbers<[1], [0], [0], [1], [0, 0, 1, 1], [], []>, transpose_lhs_hint = false} : vector<512x1024xbf16>, vector<1024x256xbf16>, vector<512x256xf32> -> vector<512x256xf32>
    %dot_general3A_223 = arith.constant dense<0.000000e+00> : vector<512x256xf32>
    %dot_general3A_224 = tpu.matmul %convert_element_type3A_216, %convert_element_type3A_220, %dot_general3A_223 {dimension_numbers = #tpu.dot_dimension_numbers<[1], [0], [0], [1], [0, 0, 1, 1], [], []>, transpose_lhs_hint = false} : vector<512x1024xbf16>, vector<1024x256xbf16>, vector<512x256xf32> -> vector<512x256xf32>
    %add3A_225 = arith.addf %dot_general3A_222, %dot_general3A_224 : vector<512x256xf32>
    %concatenate3A_226 = tpu.concatenate %add3A_168, %add3A_225 in 1 : vector<512x256xf32>, vector<512x256xf32> -> vector<512x512xf32>
    %sub3A_227 = arith.subf %sub3A_104, %concatenate3A_226 : vector<512x512xf32>
    %add3A_228 = arith.addf %add3A_105, %concatenate3A_226 : vector<512x512xf32>
    %mul3A_229 = arith.mulf %sub3A_227, %sub3A_227 : vector<512x512xf32>
    %reduce_sum3A_230 = vector.shape_cast %mul3A_229 : vector<512x512xf32> to vector<1x512x512xf32>
    %reduce_sum3A_231 = arith.constant dense<0.000000e+00> : vector<1xf32>
    %reduce_sum3A_232 = vector.multi_reduction <add>, %reduce_sum3A_230, %reduce_sum3A_231 [1, 2] : vector<1x512x512xf32> to vector<1xf32>
    %reduce_sum3A_233 = vector.shape_cast %reduce_sum3A_232 : vector<1xf32> to vector<1x1x1xf32>
    %reduce_sum3A_234 = vector.extract %reduce_sum3A_233[0, 0, 0] : f32 from vector<1x1x1xf32>
    %slice3A_235 = vector.extract_strided_slice %sub3A_227 {offsets = [0, 0], sizes = [512, 256], strides = [1, 1]} : vector<512x512xf32> to vector<512x256xf32>
    %mul3A_236 = arith.mulf %slice3A_235, %slice3A_235 : vector<512x256xf32>
    %reduce_sum3A_237 = arith.constant dense<0.000000e+00> : vector<512xf32>
    %reduce_sum3A_238 = vector.multi_reduction <add>, %mul3A_236, %reduce_sum3A_237 [1] : vector<512x256xf32> to vector<512xf32>
    %broadcast_in_dim3A_239 = vector.shape_cast %reduce_sum3A_238 : vector<512xf32> to vector<512x1xf32>
    %get3A_240 = arith.constant 2 : index
    %get3A_241 = arith.constant 0 : index
    %get3A_242 = arith.constant 0 : index
    %get3A_243 = arith.constant 0 : index
    %get3A_244 = vector.load %arg2[%get3A_240, %get3A_241, %get3A_242, %get3A_243] : memref<8x2x1024x256xf32, #tpu.memory_space<vmem>>, vector<1x1x1024x256xf32>
    %get3A_245 = vector.shape_cast %get3A_244 : vector<1x1x1024x256xf32> to vector<1024x256xf32>
    %dot_general3A_246 = arith.constant dense<0.000000e+00> : vector<512x1024xf32>
    %dot_general3A_247 = tpu.matmul %slice3A_235, %get3A_245, %dot_general3A_246 {dimension_numbers = #tpu.dot_dimension_numbers<[1], [1], [0], [0], [0, 0, 1, 0], [], []>, transpose_lhs_hint = false} : vector<512x256xf32>, vector<1024x256xf32>, vector<512x1024xf32> -> vector<512x1024xf32>
    %get3A_248 = arith.constant 4 : index
    %get3A_249 = arith.constant 0 : index
    %get3A_250 = vector.load %arg3[%get3A_248, %get3A_249] : memref<16x1024xf32, #tpu.memory_space<vmem>>, vector<1x1024xf32>
    %get3A_251 = vector.shape_cast %get3A_250 : vector<1x1024xf32> to vector<1024xf32>
    %broadcast_in_dim3A_252 = vector.shape_cast %get3A_251 : vector<1024xf32> to vector<1x1024xf32>
    %add3A_253 = vector.broadcast %broadcast_in_dim3A_239 : vector<512x1xf32> to vector<512x1024xf32>
    %add3A_254 = vector.broadcast %broadcast_in_dim3A_252 : vector<1x1024xf32> to vector<512x1024xf32>
    %add3A_255 = arith.addf %add3A_253, %add3A_254 : vector<512x1024xf32>
    %mul3A_256 = arith.constant 2.000000e+00 : f32
    %mul3A_257 = vector.broadcast %mul3A_256 : f32 to vector<512x1024xf32>
    %mul3A_258 = arith.mulf %mul3A_257, %dot_general3A_247 : vector<512x1024xf32>
    %sub3A_259 = arith.subf %add3A_255, %mul3A_258 : vector<512x1024xf32>
    %reduce_min3A_260 = arith.constant dense<0x7F800000> : vector<512xf32>
    %reduce_min3A_261 = vector.multi_reduction <minimumf>, %sub3A_259, %reduce_min3A_260 [1] : vector<512x1024xf32> to vector<512xf32>
    %broadcast_in_dim3A_262 = vector.shape_cast %reduce_min3A_261 : vector<512xf32> to vector<512x1xf32>
    %iota3A_263 = tpu.iota {dimensions = array<i32: 1>} : vector<512x1024xi32>
    %eq3A_264 = vector.broadcast %broadcast_in_dim3A_262 : vector<512x1xf32> to vector<512x1024xf32>
    %eq3A_265 = arith.cmpf oeq, %sub3A_259, %eq3A_264 : vector<512x1024xf32>
    %jit3A_266 = arith.constant 1024 : i32
    %broadcast_in_dim3A_267 = vector.broadcast %jit3A_266 : i32 to vector<512x1024xi32>
    %select_n3A_268 = arith.select %eq3A_265, %iota3A_263, %broadcast_in_dim3A_267 : vector<512x1024xi1>, vector<512x1024xi32>
    %reduce_min3A_269 = arith.constant dense<2147483647> : vector<512xi32>
    %reduce_min3A_270 = vector.multi_reduction <minsi>, %select_n3A_268, %reduce_min3A_269 [1] : vector<512x1024xi32> to vector<512xi32>
    %swap3A_271 = arith.constant 0 : index
    %swap3A_272 = arith.constant 4 : index
    %swap3A_273 = arith.constant 0 : index
    %swap3A_274 = vector.load %arg5[%swap3A_271, %swap3A_272, %swap3A_273] : memref<1x16x512xi32, #tpu.memory_space<vmem>>, vector<1x1x512xi32>
    %swap3A_275 = vector.shape_cast %swap3A_274 : vector<1x1x512xi32> to vector<512xi32>
    %swap3A_276 = vector.shape_cast %reduce_min3A_270 : vector<512xi32> to vector<1x1x512xi32>
    tpu.vector_store %arg5[%swap3A_271, %swap3A_272, %swap3A_273], %swap3A_276 {strides = array<i32>} : memref<1x16x512xi32, #tpu.memory_space<vmem>>, vector<1x1x512xi32>,
    %broadcast_in_dim3A_277 = vector.shape_cast %reduce_min3A_270 : vector<512xi32> to vector<512x1xi32>
    %eq3A_278 = vector.broadcast %broadcast_in_dim3A_277 : vector<512x1xi32> to vector<512x1024xi32>
    %eq3A_279 = arith.cmpi eq, %iota3A_263, %eq3A_278 : vector<512x1024xi32>
    %convert_element_type3A_280 = arith.extui %eq3A_279 : vector<512x1024xi1> to vector<512x1024xi32>
    %convert_element_type3A_281 = arith.sitofp %convert_element_type3A_280 : vector<512x1024xi32> to vector<512x1024xf32>
    %convert_element_type3A_282 = arith.truncf %convert_element_type3A_281 : vector<512x1024xf32> to vector<512x1024xbf16>
    %convert_element_type3A_283 = arith.truncf %get3A_245 : vector<1024x256xf32> to vector<1024x256xbf16>
    %convert_element_type3A_284 = arith.extf %convert_element_type3A_283 : vector<1024x256xbf16> to vector<1024x256xf32>
    %sub3A_285 = arith.subf %get3A_245, %convert_element_type3A_284 : vector<1024x256xf32>
    %convert_element_type3A_286 = arith.truncf %sub3A_285 : vector<1024x256xf32> to vector<1024x256xbf16>
    %dot_general3A_287 = arith.constant dense<0.000000e+00> : vector<512x256xf32>
    %dot_general3A_288 = tpu.matmul %convert_element_type3A_282, %convert_element_type3A_283, %dot_general3A_287 {dimension_numbers = #tpu.dot_dimension_numbers<[1], [0], [0], [1], [0, 0, 1, 1], [], []>, transpose_lhs_hint = false} : vector<512x1024xbf16>, vector<1024x256xbf16>, vector<512x256xf32> -> vector<512x256xf32>
    %dot_general3A_289 = arith.constant dense<0.000000e+00> : vector<512x256xf32>
    %dot_general3A_290 = tpu.matmul %convert_element_type3A_282, %convert_element_type3A_286, %dot_general3A_289 {dimension_numbers = #tpu.dot_dimension_numbers<[1], [0], [0], [1], [0, 0, 1, 1], [], []>, transpose_lhs_hint = false} : vector<512x1024xbf16>, vector<1024x256xbf16>, vector<512x256xf32> -> vector<512x256xf32>
    %add3A_291 = arith.addf %dot_general3A_288, %dot_general3A_290 : vector<512x256xf32>
    %slice3A_292 = vector.extract_strided_slice %sub3A_227 {offsets = [0, 256], sizes = [512, 256], strides = [1, 1]} : vector<512x512xf32> to vector<512x256xf32>
    %mul3A_293 = arith.mulf %slice3A_292, %slice3A_292 : vector<512x256xf32>
    %reduce_sum3A_294 = arith.constant dense<0.000000e+00> : vector<512xf32>
    %reduce_sum3A_295 = vector.multi_reduction <add>, %mul3A_293, %reduce_sum3A_294 [1] : vector<512x256xf32> to vector<512xf32>
    %broadcast_in_dim3A_296 = vector.shape_cast %reduce_sum3A_295 : vector<512xf32> to vector<512x1xf32>
    %get3A_297 = arith.constant 2 : index
    %get3A_298 = arith.constant 1 : index
    %get3A_299 = arith.constant 0 : index
    %get3A_300 = arith.constant 0 : index
    %get3A_301 = vector.load %arg2[%get3A_297, %get3A_298, %get3A_299, %get3A_300] : memref<8x2x1024x256xf32, #tpu.memory_space<vmem>>, vector<1x1x1024x256xf32>
    %get3A_302 = vector.shape_cast %get3A_301 : vector<1x1x1024x256xf32> to vector<1024x256xf32>
    %dot_general3A_303 = arith.constant dense<0.000000e+00> : vector<512x1024xf32>
    %dot_general3A_304 = tpu.matmul %slice3A_292, %get3A_302, %dot_general3A_303 {dimension_numbers = #tpu.dot_dimension_numbers<[1], [1], [0], [0], [0, 0, 1, 0], [], []>, transpose_lhs_hint = false} : vector<512x256xf32>, vector<1024x256xf32>, vector<512x1024xf32> -> vector<512x1024xf32>
    %get3A_305 = arith.constant 5 : index
    %get3A_306 = arith.constant 0 : index
    %get3A_307 = vector.load %arg3[%get3A_305, %get3A_306] : memref<16x1024xf32, #tpu.memory_space<vmem>>, vector<1x1024xf32>
    %get3A_308 = vector.shape_cast %get3A_307 : vector<1x1024xf32> to vector<1024xf32>
    %broadcast_in_dim3A_309 = vector.shape_cast %get3A_308 : vector<1024xf32> to vector<1x1024xf32>
    %add3A_310 = vector.broadcast %broadcast_in_dim3A_296 : vector<512x1xf32> to vector<512x1024xf32>
    %add3A_311 = vector.broadcast %broadcast_in_dim3A_309 : vector<1x1024xf32> to vector<512x1024xf32>
    %add3A_312 = arith.addf %add3A_310, %add3A_311 : vector<512x1024xf32>
    %mul3A_313 = arith.constant 2.000000e+00 : f32
    %mul3A_314 = vector.broadcast %mul3A_313 : f32 to vector<512x1024xf32>
    %mul3A_315 = arith.mulf %mul3A_314, %dot_general3A_304 : vector<512x1024xf32>
    %sub3A_316 = arith.subf %add3A_312, %mul3A_315 : vector<512x1024xf32>
    %reduce_min3A_317 = arith.constant dense<0x7F800000> : vector<512xf32>
    %reduce_min3A_318 = vector.multi_reduction <minimumf>, %sub3A_316, %reduce_min3A_317 [1] : vector<512x1024xf32> to vector<512xf32>
    %broadcast_in_dim3A_319 = vector.shape_cast %reduce_min3A_318 : vector<512xf32> to vector<512x1xf32>
    %iota3A_320 = tpu.iota {dimensions = array<i32: 1>} : vector<512x1024xi32>
    %eq3A_321 = vector.broadcast %broadcast_in_dim3A_319 : vector<512x1xf32> to vector<512x1024xf32>
    %eq3A_322 = arith.cmpf oeq, %sub3A_316, %eq3A_321 : vector<512x1024xf32>
    %jit3A_323 = arith.constant 1024 : i32
    %broadcast_in_dim3A_324 = vector.broadcast %jit3A_323 : i32 to vector<512x1024xi32>
    %select_n3A_325 = arith.select %eq3A_322, %iota3A_320, %broadcast_in_dim3A_324 : vector<512x1024xi1>, vector<512x1024xi32>
    %reduce_min3A_326 = arith.constant dense<2147483647> : vector<512xi32>
    %reduce_min3A_327 = vector.multi_reduction <minsi>, %select_n3A_325, %reduce_min3A_326 [1] : vector<512x1024xi32> to vector<512xi32>
    %swap3A_328 = arith.constant 0 : index
    %swap3A_329 = arith.constant 5 : index
    %swap3A_330 = arith.constant 0 : index
    %swap3A_331 = vector.load %arg5[%swap3A_328, %swap3A_329, %swap3A_330] : memref<1x16x512xi32, #tpu.memory_space<vmem>>, vector<1x1x512xi32>
    %swap3A_332 = vector.shape_cast %swap3A_331 : vector<1x1x512xi32> to vector<512xi32>
    %swap3A_333 = vector.shape_cast %reduce_min3A_327 : vector<512xi32> to vector<1x1x512xi32>
    tpu.vector_store %arg5[%swap3A_328, %swap3A_329, %swap3A_330], %swap3A_333 {strides = array<i32>} : memref<1x16x512xi32, #tpu.memory_space<vmem>>, vector<1x1x512xi32>,
    %broadcast_in_dim3A_334 = vector.shape_cast %reduce_min3A_327 : vector<512xi32> to vector<512x1xi32>
    %eq3A_335 = vector.broadcast %broadcast_in_dim3A_334 : vector<512x1xi32> to vector<512x1024xi32>
    %eq3A_336 = arith.cmpi eq, %iota3A_320, %eq3A_335 : vector<512x1024xi32>
    %convert_element_type3A_337 = arith.extui %eq3A_336 : vector<512x1024xi1> to vector<512x1024xi32>
    %convert_element_type3A_338 = arith.sitofp %convert_element_type3A_337 : vector<512x1024xi32> to vector<512x1024xf32>
    %convert_element_type3A_339 = arith.truncf %convert_element_type3A_338 : vector<512x1024xf32> to vector<512x1024xbf16>
    %convert_element_type3A_340 = arith.truncf %get3A_302 : vector<1024x256xf32> to vector<1024x256xbf16>
    %convert_element_type3A_341 = arith.extf %convert_element_type3A_340 : vector<1024x256xbf16> to vector<1024x256xf32>
    %sub3A_342 = arith.subf %get3A_302, %convert_element_type3A_341 : vector<1024x256xf32>
    %convert_element_type3A_343 = arith.truncf %sub3A_342 : vector<1024x256xf32> to vector<1024x256xbf16>
    %dot_general3A_344 = arith.constant dense<0.000000e+00> : vector<512x256xf32>
    %dot_general3A_345 = tpu.matmul %convert_element_type3A_339, %convert_element_type3A_340, %dot_general3A_344 {dimension_numbers = #tpu.dot_dimension_numbers<[1], [0], [0], [1], [0, 0, 1, 1], [], []>, transpose_lhs_hint = false} : vector<512x1024xbf16>, vector<1024x256xbf16>, vector<512x256xf32> -> vector<512x256xf32>
    %dot_general3A_346 = arith.constant dense<0.000000e+00> : vector<512x256xf32>
    %dot_general3A_347 = tpu.matmul %convert_element_type3A_339, %convert_element_type3A_343, %dot_general3A_346 {dimension_numbers = #tpu.dot_dimension_numbers<[1], [0], [0], [1], [0, 0, 1, 1], [], []>, transpose_lhs_hint = false} : vector<512x1024xbf16>, vector<1024x256xbf16>, vector<512x256xf32> -> vector<512x256xf32>
    %add3A_348 = arith.addf %dot_general3A_345, %dot_general3A_347 : vector<512x256xf32>
    %concatenate3A_349 = tpu.concatenate %add3A_291, %add3A_348 in 1 : vector<512x256xf32>, vector<512x256xf32> -> vector<512x512xf32>
    %sub3A_350 = arith.subf %sub3A_227, %concatenate3A_349 : vector<512x512xf32>
    %add3A_351 = arith.addf %add3A_228, %concatenate3A_349 : vector<512x512xf32>
    %mul3A_352 = arith.mulf %sub3A_350, %sub3A_350 : vector<512x512xf32>
    %reduce_sum3A_353 = vector.shape_cast %mul3A_352 : vector<512x512xf32> to vector<1x512x512xf32>
    %reduce_sum3A_354 = arith.constant dense<0.000000e+00> : vector<1xf32>
    %reduce_sum3A_355 = vector.multi_reduction <add>, %reduce_sum3A_353, %reduce_sum3A_354 [1, 2] : vector<1x512x512xf32> to vector<1xf32>
    %reduce_sum3A_356 = vector.shape_cast %reduce_sum3A_355 : vector<1xf32> to vector<1x1x1xf32>
    %reduce_sum3A_357 = vector.extract %reduce_sum3A_356[0, 0, 0] : f32 from vector<1x1x1xf32>
    %slice3A_358 = vector.extract_strided_slice %sub3A_350 {offsets = [0, 0], sizes = [512, 256], strides = [1, 1]} : vector<512x512xf32> to vector<512x256xf32>
    %mul3A_359 = arith.mulf %slice3A_358, %slice3A_358 : vector<512x256xf32>
    %reduce_sum3A_360 = arith.constant dense<0.000000e+00> : vector<512xf32>
    %reduce_sum3A_361 = vector.multi_reduction <add>, %mul3A_359, %reduce_sum3A_360 [1] : vector<512x256xf32> to vector<512xf32>
    %broadcast_in_dim3A_362 = vector.shape_cast %reduce_sum3A_361 : vector<512xf32> to vector<512x1xf32>
    %get3A_363 = arith.constant 3 : index
    %get3A_364 = arith.constant 0 : index
    %get3A_365 = arith.constant 0 : index
    %get3A_366 = arith.constant 0 : index
    %get3A_367 = vector.load %arg2[%get3A_363, %get3A_364, %get3A_365, %get3A_366] : memref<8x2x1024x256xf32, #tpu.memory_space<vmem>>, vector<1x1x1024x256xf32>
    %get3A_368 = vector.shape_cast %get3A_367 : vector<1x1x1024x256xf32> to vector<1024x256xf32>
    %dot_general3A_369 = arith.constant dense<0.000000e+00> : vector<512x1024xf32>
    %dot_general3A_370 = tpu.matmul %slice3A_358, %get3A_368, %dot_general3A_369 {dimension_numbers = #tpu.dot_dimension_numbers<[1], [1], [0], [0], [0, 0, 1, 0], [], []>, transpose_lhs_hint = false} : vector<512x256xf32>, vector<1024x256xf32>, vector<512x1024xf32> -> vector<512x1024xf32>
    %get3A_371 = arith.constant 6 : index
    %get3A_372 = arith.constant 0 : index
    %get3A_373 = vector.load %arg3[%get3A_371, %get3A_372] : memref<16x1024xf32, #tpu.memory_space<vmem>>, vector<1x1024xf32>
    %get3A_374 = vector.shape_cast %get3A_373 : vector<1x1024xf32> to vector<1024xf32>
    %broadcast_in_dim3A_375 = vector.shape_cast %get3A_374 : vector<1024xf32> to vector<1x1024xf32>
    %add3A_376 = vector.broadcast %broadcast_in_dim3A_362 : vector<512x1xf32> to vector<512x1024xf32>
    %add3A_377 = vector.broadcast %broadcast_in_dim3A_375 : vector<1x1024xf32> to vector<512x1024xf32>
    %add3A_378 = arith.addf %add3A_376, %add3A_377 : vector<512x1024xf32>
    %mul3A_379 = arith.constant 2.000000e+00 : f32
    %mul3A_380 = vector.broadcast %mul3A_379 : f32 to vector<512x1024xf32>
    %mul3A_381 = arith.mulf %mul3A_380, %dot_general3A_370 : vector<512x1024xf32>
    %sub3A_382 = arith.subf %add3A_378, %mul3A_381 : vector<512x1024xf32>
    %reduce_min3A_383 = arith.constant dense<0x7F800000> : vector<512xf32>
    %reduce_min3A_384 = vector.multi_reduction <minimumf>, %sub3A_382, %reduce_min3A_383 [1] : vector<512x1024xf32> to vector<512xf32>
    %broadcast_in_dim3A_385 = vector.shape_cast %reduce_min3A_384 : vector<512xf32> to vector<512x1xf32>
    %iota3A_386 = tpu.iota {dimensions = array<i32: 1>} : vector<512x1024xi32>
    %eq3A_387 = vector.broadcast %broadcast_in_dim3A_385 : vector<512x1xf32> to vector<512x1024xf32>
    %eq3A_388 = arith.cmpf oeq, %sub3A_382, %eq3A_387 : vector<512x1024xf32>
    %jit3A_389 = arith.constant 1024 : i32
    %broadcast_in_dim3A_390 = vector.broadcast %jit3A_389 : i32 to vector<512x1024xi32>
    %select_n3A_391 = arith.select %eq3A_388, %iota3A_386, %broadcast_in_dim3A_390 : vector<512x1024xi1>, vector<512x1024xi32>
    %reduce_min3A_392 = arith.constant dense<2147483647> : vector<512xi32>
    %reduce_min3A_393 = vector.multi_reduction <minsi>, %select_n3A_391, %reduce_min3A_392 [1] : vector<512x1024xi32> to vector<512xi32>
    %swap3A_394 = arith.constant 0 : index
    %swap3A_395 = arith.constant 6 : index
    %swap3A_396 = arith.constant 0 : index
    %swap3A_397 = vector.load %arg5[%swap3A_394, %swap3A_395, %swap3A_396] : memref<1x16x512xi32, #tpu.memory_space<vmem>>, vector<1x1x512xi32>
    %swap3A_398 = vector.shape_cast %swap3A_397 : vector<1x1x512xi32> to vector<512xi32>
    %swap3A_399 = vector.shape_cast %reduce_min3A_393 : vector<512xi32> to vector<1x1x512xi32>
    tpu.vector_store %arg5[%swap3A_394, %swap3A_395, %swap3A_396], %swap3A_399 {strides = array<i32>} : memref<1x16x512xi32, #tpu.memory_space<vmem>>, vector<1x1x512xi32>,
    %broadcast_in_dim3A_400 = vector.shape_cast %reduce_min3A_393 : vector<512xi32> to vector<512x1xi32>
    %eq3A_401 = vector.broadcast %broadcast_in_dim3A_400 : vector<512x1xi32> to vector<512x1024xi32>
    %eq3A_402 = arith.cmpi eq, %iota3A_386, %eq3A_401 : vector<512x1024xi32>
    %convert_element_type3A_403 = arith.extui %eq3A_402 : vector<512x1024xi1> to vector<512x1024xi32>
    %convert_element_type3A_404 = arith.sitofp %convert_element_type3A_403 : vector<512x1024xi32> to vector<512x1024xf32>
    %convert_element_type3A_405 = arith.truncf %convert_element_type3A_404 : vector<512x1024xf32> to vector<512x1024xbf16>
    %convert_element_type3A_406 = arith.truncf %get3A_368 : vector<1024x256xf32> to vector<1024x256xbf16>
    %convert_element_type3A_407 = arith.extf %convert_element_type3A_406 : vector<1024x256xbf16> to vector<1024x256xf32>
    %sub3A_408 = arith.subf %get3A_368, %convert_element_type3A_407 : vector<1024x256xf32>
    %convert_element_type3A_409 = arith.truncf %sub3A_408 : vector<1024x256xf32> to vector<1024x256xbf16>
    %dot_general3A_410 = arith.constant dense<0.000000e+00> : vector<512x256xf32>
    %dot_general3A_411 = tpu.matmul %convert_element_type3A_405, %convert_element_type3A_406, %dot_general3A_410 {dimension_numbers = #tpu.dot_dimension_numbers<[1], [0], [0], [1], [0, 0, 1, 1], [], []>, transpose_lhs_hint = false} : vector<512x1024xbf16>, vector<1024x256xbf16>, vector<512x256xf32> -> vector<512x256xf32>
    %dot_general3A_412 = arith.constant dense<0.000000e+00> : vector<512x256xf32>
    %dot_general3A_413 = tpu.matmul %convert_element_type3A_405, %convert_element_type3A_409, %dot_general3A_412 {dimension_numbers = #tpu.dot_dimension_numbers<[1], [0], [0], [1], [0, 0, 1, 1], [], []>, transpose_lhs_hint = false} : vector<512x1024xbf16>, vector<1024x256xbf16>, vector<512x256xf32> -> vector<512x256xf32>
    %add3A_414 = arith.addf %dot_general3A_411, %dot_general3A_413 : vector<512x256xf32>
    %slice3A_415 = vector.extract_strided_slice %sub3A_350 {offsets = [0, 256], sizes = [512, 256], strides = [1, 1]} : vector<512x512xf32> to vector<512x256xf32>
    %mul3A_416 = arith.mulf %slice3A_415, %slice3A_415 : vector<512x256xf32>
    %reduce_sum3A_417 = arith.constant dense<0.000000e+00> : vector<512xf32>
    %reduce_sum3A_418 = vector.multi_reduction <add>, %mul3A_416, %reduce_sum3A_417 [1] : vector<512x256xf32> to vector<512xf32>
    %broadcast_in_dim3A_419 = vector.shape_cast %reduce_sum3A_418 : vector<512xf32> to vector<512x1xf32>
    %get3A_420 = arith.constant 3 : index
    %get3A_421 = arith.constant 1 : index
    %get3A_422 = arith.constant 0 : index
    %get3A_423 = arith.constant 0 : index
    %get3A_424 = vector.load %arg2[%get3A_420, %get3A_421, %get3A_422, %get3A_423] : memref<8x2x1024x256xf32, #tpu.memory_space<vmem>>, vector<1x1x1024x256xf32>
    %get3A_425 = vector.shape_cast %get3A_424 : vector<1x1x1024x256xf32> to vector<1024x256xf32>
    %dot_general3A_426 = arith.constant dense<0.000000e+00> : vector<512x1024xf32>
    %dot_general3A_427 = tpu.matmul %slice3A_415, %get3A_425, %dot_general3A_426 {dimension_numbers = #tpu.dot_dimension_numbers<[1], [1], [0], [0], [0, 0, 1, 0], [], []>, transpose_lhs_hint = false} : vector<512x256xf32>, vector<1024x256xf32>, vector<512x1024xf32> -> vector<512x1024xf32>
    %get3A_428 = arith.constant 7 : index
    %get3A_429 = arith.constant 0 : index
    %get3A_430 = vector.load %arg3[%get3A_428, %get3A_429] : memref<16x1024xf32, #tpu.memory_space<vmem>>, vector<1x1024xf32>
    %get3A_431 = vector.shape_cast %get3A_430 : vector<1x1024xf32> to vector<1024xf32>
    %broadcast_in_dim3A_432 = vector.shape_cast %get3A_431 : vector<1024xf32> to vector<1x1024xf32>
    %add3A_433 = vector.broadcast %broadcast_in_dim3A_419 : vector<512x1xf32> to vector<512x1024xf32>
    %add3A_434 = vector.broadcast %broadcast_in_dim3A_432 : vector<1x1024xf32> to vector<512x1024xf32>
    %add3A_435 = arith.addf %add3A_433, %add3A_434 : vector<512x1024xf32>
    %mul3A_436 = arith.constant 2.000000e+00 : f32
    %mul3A_437 = vector.broadcast %mul3A_436 : f32 to vector<512x1024xf32>
    %mul3A_438 = arith.mulf %mul3A_437, %dot_general3A_427 : vector<512x1024xf32>
    %sub3A_439 = arith.subf %add3A_435, %mul3A_438 : vector<512x1024xf32>
    %reduce_min3A_440 = arith.constant dense<0x7F800000> : vector<512xf32>
    %reduce_min3A_441 = vector.multi_reduction <minimumf>, %sub3A_439, %reduce_min3A_440 [1] : vector<512x1024xf32> to vector<512xf32>
    %broadcast_in_dim3A_442 = vector.shape_cast %reduce_min3A_441 : vector<512xf32> to vector<512x1xf32>
    %iota3A_443 = tpu.iota {dimensions = array<i32: 1>} : vector<512x1024xi32>
    %eq3A_444 = vector.broadcast %broadcast_in_dim3A_442 : vector<512x1xf32> to vector<512x1024xf32>
    %eq3A_445 = arith.cmpf oeq, %sub3A_439, %eq3A_444 : vector<512x1024xf32>
    %jit3A_446 = arith.constant 1024 : i32
    %broadcast_in_dim3A_447 = vector.broadcast %jit3A_446 : i32 to vector<512x1024xi32>
    %select_n3A_448 = arith.select %eq3A_445, %iota3A_443, %broadcast_in_dim3A_447 : vector<512x1024xi1>, vector<512x1024xi32>
    %reduce_min3A_449 = arith.constant dense<2147483647> : vector<512xi32>
    %reduce_min3A_450 = vector.multi_reduction <minsi>, %select_n3A_448, %reduce_min3A_449 [1] : vector<512x1024xi32> to vector<512xi32>
    %swap3A_451 = arith.constant 0 : index
    %swap3A_452 = arith.constant 7 : index
    %swap3A_453 = arith.constant 0 : index
    %swap3A_454 = vector.load %arg5[%swap3A_451, %swap3A_452, %swap3A_453] : memref<1x16x512xi32, #tpu.memory_space<vmem>>, vector<1x1x512xi32>
    %swap3A_455 = vector.shape_cast %swap3A_454 : vector<1x1x512xi32> to vector<512xi32>
    %swap3A_456 = vector.shape_cast %reduce_min3A_450 : vector<512xi32> to vector<1x1x512xi32>
    tpu.vector_store %arg5[%swap3A_451, %swap3A_452, %swap3A_453], %swap3A_456 {strides = array<i32>} : memref<1x16x512xi32, #tpu.memory_space<vmem>>, vector<1x1x512xi32>,
    %broadcast_in_dim3A_457 = vector.shape_cast %reduce_min3A_450 : vector<512xi32> to vector<512x1xi32>
    %eq3A_458 = vector.broadcast %broadcast_in_dim3A_457 : vector<512x1xi32> to vector<512x1024xi32>
    %eq3A_459 = arith.cmpi eq, %iota3A_443, %eq3A_458 : vector<512x1024xi32>
    %convert_element_type3A_460 = arith.extui %eq3A_459 : vector<512x1024xi1> to vector<512x1024xi32>
    %convert_element_type3A_461 = arith.sitofp %convert_element_type3A_460 : vector<512x1024xi32> to vector<512x1024xf32>
    %convert_element_type3A_462 = arith.truncf %convert_element_type3A_461 : vector<512x1024xf32> to vector<512x1024xbf16>
    %convert_element_type3A_463 = arith.truncf %get3A_425 : vector<1024x256xf32> to vector<1024x256xbf16>
    %convert_element_type3A_464 = arith.extf %convert_element_type3A_463 : vector<1024x256xbf16> to vector<1024x256xf32>
    %sub3A_465 = arith.subf %get3A_425, %convert_element_type3A_464 : vector<1024x256xf32>
    %convert_element_type3A_466 = arith.truncf %sub3A_465 : vector<1024x256xf32> to vector<1024x256xbf16>
    %dot_general3A_467 = arith.constant dense<0.000000e+00> : vector<512x256xf32>
    %dot_general3A_468 = tpu.matmul %convert_element_type3A_462, %convert_element_type3A_463, %dot_general3A_467 {dimension_numbers = #tpu.dot_dimension_numbers<[1], [0], [0], [1], [0, 0, 1, 1], [], []>, transpose_lhs_hint = false} : vector<512x1024xbf16>, vector<1024x256xbf16>, vector<512x256xf32> -> vector<512x256xf32>
    %dot_general3A_469 = arith.constant dense<0.000000e+00> : vector<512x256xf32>
    %dot_general3A_470 = tpu.matmul %convert_element_type3A_462, %convert_element_type3A_466, %dot_general3A_469 {dimension_numbers = #tpu.dot_dimension_numbers<[1], [0], [0], [1], [0, 0, 1, 1], [], []>, transpose_lhs_hint = false} : vector<512x1024xbf16>, vector<1024x256xbf16>, vector<512x256xf32> -> vector<512x256xf32>
    %add3A_471 = arith.addf %dot_general3A_468, %dot_general3A_470 : vector<512x256xf32>
    %concatenate3A_472 = tpu.concatenate %add3A_414, %add3A_471 in 1 : vector<512x256xf32>, vector<512x256xf32> -> vector<512x512xf32>
    %sub3A_473 = arith.subf %sub3A_350, %concatenate3A_472 : vector<512x512xf32>
    %add3A_474 = arith.addf %add3A_351, %concatenate3A_472 : vector<512x512xf32>
    %mul3A_475 = arith.mulf %sub3A_473, %sub3A_473 : vector<512x512xf32>
    %reduce_sum3A_476 = vector.shape_cast %mul3A_475 : vector<512x512xf32> to vector<1x512x512xf32>
    %reduce_sum3A_477 = arith.constant dense<0.000000e+00> : vector<1xf32>
    %reduce_sum3A_478 = vector.multi_reduction <add>, %reduce_sum3A_476, %reduce_sum3A_477 [1, 2] : vector<1x512x512xf32> to vector<1xf32>
    %reduce_sum3A_479 = vector.shape_cast %reduce_sum3A_478 : vector<1xf32> to vector<1x1x1xf32>
    %reduce_sum3A_480 = vector.extract %reduce_sum3A_479[0, 0, 0] : f32 from vector<1x1x1xf32>
    %slice3A_481 = vector.extract_strided_slice %sub3A_473 {offsets = [0, 0], sizes = [512, 256], strides = [1, 1]} : vector<512x512xf32> to vector<512x256xf32>
    %mul3A_482 = arith.mulf %slice3A_481, %slice3A_481 : vector<512x256xf32>
    %reduce_sum3A_483 = arith.constant dense<0.000000e+00> : vector<512xf32>
    %reduce_sum3A_484 = vector.multi_reduction <add>, %mul3A_482, %reduce_sum3A_483 [1] : vector<512x256xf32> to vector<512xf32>
    %broadcast_in_dim3A_485 = vector.shape_cast %reduce_sum3A_484 : vector<512xf32> to vector<512x1xf32>
    %get3A_486 = arith.constant 4 : index
    %get3A_487 = arith.constant 0 : index
    %get3A_488 = arith.constant 0 : index
    %get3A_489 = arith.constant 0 : index
    %get3A_490 = vector.load %arg2[%get3A_486, %get3A_487, %get3A_488, %get3A_489] : memref<8x2x1024x256xf32, #tpu.memory_space<vmem>>, vector<1x1x1024x256xf32>
    %get3A_491 = vector.shape_cast %get3A_490 : vector<1x1x1024x256xf32> to vector<1024x256xf32>
    %dot_general3A_492 = arith.constant dense<0.000000e+00> : vector<512x1024xf32>
    %dot_general3A_493 = tpu.matmul %slice3A_481, %get3A_491, %dot_general3A_492 {dimension_numbers = #tpu.dot_dimension_numbers<[1], [1], [0], [0], [0, 0, 1, 0], [], []>, transpose_lhs_hint = false} : vector<512x256xf32>, vector<1024x256xf32>, vector<512x1024xf32> -> vector<512x1024xf32>
    %get3A_494 = arith.constant 8 : index
    %get3A_495 = arith.constant 0 : index
    %get3A_496 = vector.load %arg3[%get3A_494, %get3A_495] : memref<16x1024xf32, #tpu.memory_space<vmem>>, vector<1x1024xf32>
    %get3A_497 = vector.shape_cast %get3A_496 : vector<1x1024xf32> to vector<1024xf32>
    %broadcast_in_dim3A_498 = vector.shape_cast %get3A_497 : vector<1024xf32> to vector<1x1024xf32>
    %add3A_499 = vector.broadcast %broadcast_in_dim3A_485 : vector<512x1xf32> to vector<512x1024xf32>
    %add3A_500 = vector.broadcast %broadcast_in_dim3A_498 : vector<1x1024xf32> to vector<512x1024xf32>
    %add3A_501 = arith.addf %add3A_499, %add3A_500 : vector<512x1024xf32>
    %mul3A_502 = arith.constant 2.000000e+00 : f32
    %mul3A_503 = vector.broadcast %mul3A_502 : f32 to vector<512x1024xf32>
    %mul3A_504 = arith.mulf %mul3A_503, %dot_general3A_493 : vector<512x1024xf32>
    %sub3A_505 = arith.subf %add3A_501, %mul3A_504 : vector<512x1024xf32>
    %reduce_min3A_506 = arith.constant dense<0x7F800000> : vector<512xf32>
    %reduce_min3A_507 = vector.multi_reduction <minimumf>, %sub3A_505, %reduce_min3A_506 [1] : vector<512x1024xf32> to vector<512xf32>
    %broadcast_in_dim3A_508 = vector.shape_cast %reduce_min3A_507 : vector<512xf32> to vector<512x1xf32>
    %iota3A_509 = tpu.iota {dimensions = array<i32: 1>} : vector<512x1024xi32>
    %eq3A_510 = vector.broadcast %broadcast_in_dim3A_508 : vector<512x1xf32> to vector<512x1024xf32>
    %eq3A_511 = arith.cmpf oeq, %sub3A_505, %eq3A_510 : vector<512x1024xf32>
    %jit3A_512 = arith.constant 1024 : i32
    %broadcast_in_dim3A_513 = vector.broadcast %jit3A_512 : i32 to vector<512x1024xi32>
    %select_n3A_514 = arith.select %eq3A_511, %iota3A_509, %broadcast_in_dim3A_513 : vector<512x1024xi1>, vector<512x1024xi32>
    %reduce_min3A_515 = arith.constant dense<2147483647> : vector<512xi32>
    %reduce_min3A_516 = vector.multi_reduction <minsi>, %select_n3A_514, %reduce_min3A_515 [1] : vector<512x1024xi32> to vector<512xi32>
    %swap3A_517 = arith.constant 0 : index
    %swap3A_518 = arith.constant 8 : index
    %swap3A_519 = arith.constant 0 : index
    %swap3A_520 = vector.load %arg5[%swap3A_517, %swap3A_518, %swap3A_519] : memref<1x16x512xi32, #tpu.memory_space<vmem>>, vector<1x1x512xi32>
    %swap3A_521 = vector.shape_cast %swap3A_520 : vector<1x1x512xi32> to vector<512xi32>
    %swap3A_522 = vector.shape_cast %reduce_min3A_516 : vector<512xi32> to vector<1x1x512xi32>
    tpu.vector_store %arg5[%swap3A_517, %swap3A_518, %swap3A_519], %swap3A_522 {strides = array<i32>} : memref<1x16x512xi32, #tpu.memory_space<vmem>>, vector<1x1x512xi32>,
    %broadcast_in_dim3A_523 = vector.shape_cast %reduce_min3A_516 : vector<512xi32> to vector<512x1xi32>
    %eq3A_524 = vector.broadcast %broadcast_in_dim3A_523 : vector<512x1xi32> to vector<512x1024xi32>
    %eq3A_525 = arith.cmpi eq, %iota3A_509, %eq3A_524 : vector<512x1024xi32>
    %convert_element_type3A_526 = arith.extui %eq3A_525 : vector<512x1024xi1> to vector<512x1024xi32>
    %convert_element_type3A_527 = arith.sitofp %convert_element_type3A_526 : vector<512x1024xi32> to vector<512x1024xf32>
    %convert_element_type3A_528 = arith.truncf %convert_element_type3A_527 : vector<512x1024xf32> to vector<512x1024xbf16>
    %convert_element_type3A_529 = arith.truncf %get3A_491 : vector<1024x256xf32> to vector<1024x256xbf16>
    %convert_element_type3A_530 = arith.extf %convert_element_type3A_529 : vector<1024x256xbf16> to vector<1024x256xf32>
    %sub3A_531 = arith.subf %get3A_491, %convert_element_type3A_530 : vector<1024x256xf32>
    %convert_element_type3A_532 = arith.truncf %sub3A_531 : vector<1024x256xf32> to vector<1024x256xbf16>
    %dot_general3A_533 = arith.constant dense<0.000000e+00> : vector<512x256xf32>
    %dot_general3A_534 = tpu.matmul %convert_element_type3A_528, %convert_element_type3A_529, %dot_general3A_533 {dimension_numbers = #tpu.dot_dimension_numbers<[1], [0], [0], [1], [0, 0, 1, 1], [], []>, transpose_lhs_hint = false} : vector<512x1024xbf16>, vector<1024x256xbf16>, vector<512x256xf32> -> vector<512x256xf32>
    %dot_general3A_535 = arith.constant dense<0.000000e+00> : vector<512x256xf32>
    %dot_general3A_536 = tpu.matmul %convert_element_type3A_528, %convert_element_type3A_532, %dot_general3A_535 {dimension_numbers = #tpu.dot_dimension_numbers<[1], [0], [0], [1], [0, 0, 1, 1], [], []>, transpose_lhs_hint = false} : vector<512x1024xbf16>, vector<1024x256xbf16>, vector<512x256xf32> -> vector<512x256xf32>
    %add3A_537 = arith.addf %dot_general3A_534, %dot_general3A_536 : vector<512x256xf32>
    %slice3A_538 = vector.extract_strided_slice %sub3A_473 {offsets = [0, 256], sizes = [512, 256], strides = [1, 1]} : vector<512x512xf32> to vector<512x256xf32>
    %mul3A_539 = arith.mulf %slice3A_538, %slice3A_538 : vector<512x256xf32>
    %reduce_sum3A_540 = arith.constant dense<0.000000e+00> : vector<512xf32>
    %reduce_sum3A_541 = vector.multi_reduction <add>, %mul3A_539, %reduce_sum3A_540 [1] : vector<512x256xf32> to vector<512xf32>
    %broadcast_in_dim3A_542 = vector.shape_cast %reduce_sum3A_541 : vector<512xf32> to vector<512x1xf32>
    %get3A_543 = arith.constant 4 : index
    %get3A_544 = arith.constant 1 : index
    %get3A_545 = arith.constant 0 : index
    %get3A_546 = arith.constant 0 : index
    %get3A_547 = vector.load %arg2[%get3A_543, %get3A_544, %get3A_545, %get3A_546] : memref<8x2x1024x256xf32, #tpu.memory_space<vmem>>, vector<1x1x1024x256xf32>
    %get3A_548 = vector.shape_cast %get3A_547 : vector<1x1x1024x256xf32> to vector<1024x256xf32>
    %dot_general3A_549 = arith.constant dense<0.000000e+00> : vector<512x1024xf32>
    %dot_general3A_550 = tpu.matmul %slice3A_538, %get3A_548, %dot_general3A_549 {dimension_numbers = #tpu.dot_dimension_numbers<[1], [1], [0], [0], [0, 0, 1, 0], [], []>, transpose_lhs_hint = false} : vector<512x256xf32>, vector<1024x256xf32>, vector<512x1024xf32> -> vector<512x1024xf32>
    %get3A_551 = arith.constant 9 : index
    %get3A_552 = arith.constant 0 : index
    %get3A_553 = vector.load %arg3[%get3A_551, %get3A_552] : memref<16x1024xf32, #tpu.memory_space<vmem>>, vector<1x1024xf32>
    %get3A_554 = vector.shape_cast %get3A_553 : vector<1x1024xf32> to vector<1024xf32>
    %broadcast_in_dim3A_555 = vector.shape_cast %get3A_554 : vector<1024xf32> to vector<1x1024xf32>
    %add3A_556 = vector.broadcast %broadcast_in_dim3A_542 : vector<512x1xf32> to vector<512x1024xf32>
    %add3A_557 = vector.broadcast %broadcast_in_dim3A_555 : vector<1x1024xf32> to vector<512x1024xf32>
    %add3A_558 = arith.addf %add3A_556, %add3A_557 : vector<512x1024xf32>
    %mul3A_559 = arith.constant 2.000000e+00 : f32
    %mul3A_560 = vector.broadcast %mul3A_559 : f32 to vector<512x1024xf32>
    %mul3A_561 = arith.mulf %mul3A_560, %dot_general3A_550 : vector<512x1024xf32>
    %sub3A_562 = arith.subf %add3A_558, %mul3A_561 : vector<512x1024xf32>
    %reduce_min3A_563 = arith.constant dense<0x7F800000> : vector<512xf32>
    %reduce_min3A_564 = vector.multi_reduction <minimumf>, %sub3A_562, %reduce_min3A_563 [1] : vector<512x1024xf32> to vector<512xf32>
    %broadcast_in_dim3A_565 = vector.shape_cast %reduce_min3A_564 : vector<512xf32> to vector<512x1xf32>
    %iota3A_566 = tpu.iota {dimensions = array<i32: 1>} : vector<512x1024xi32>
    %eq3A_567 = vector.broadcast %broadcast_in_dim3A_565 : vector<512x1xf32> to vector<512x1024xf32>
    %eq3A_568 = arith.cmpf oeq, %sub3A_562, %eq3A_567 : vector<512x1024xf32>
    %jit3A_569 = arith.constant 1024 : i32
    %broadcast_in_dim3A_570 = vector.broadcast %jit3A_569 : i32 to vector<512x1024xi32>
    %select_n3A_571 = arith.select %eq3A_568, %iota3A_566, %broadcast_in_dim3A_570 : vector<512x1024xi1>, vector<512x1024xi32>
    %reduce_min3A_572 = arith.constant dense<2147483647> : vector<512xi32>
    %reduce_min3A_573 = vector.multi_reduction <minsi>, %select_n3A_571, %reduce_min3A_572 [1] : vector<512x1024xi32> to vector<512xi32>
    %swap3A_574 = arith.constant 0 : index
    %swap3A_575 = arith.constant 9 : index
    %swap3A_576 = arith.constant 0 : index
    %swap3A_577 = vector.load %arg5[%swap3A_574, %swap3A_575, %swap3A_576] : memref<1x16x512xi32, #tpu.memory_space<vmem>>, vector<1x1x512xi32>
    %swap3A_578 = vector.shape_cast %swap3A_577 : vector<1x1x512xi32> to vector<512xi32>
    %swap3A_579 = vector.shape_cast %reduce_min3A_573 : vector<512xi32> to vector<1x1x512xi32>
    tpu.vector_store %arg5[%swap3A_574, %swap3A_575, %swap3A_576], %swap3A_579 {strides = array<i32>} : memref<1x16x512xi32, #tpu.memory_space<vmem>>, vector<1x1x512xi32>,
    %broadcast_in_dim3A_580 = vector.shape_cast %reduce_min3A_573 : vector<512xi32> to vector<512x1xi32>
    %eq3A_581 = vector.broadcast %broadcast_in_dim3A_580 : vector<512x1xi32> to vector<512x1024xi32>
    %eq3A_582 = arith.cmpi eq, %iota3A_566, %eq3A_581 : vector<512x1024xi32>
    %convert_element_type3A_583 = arith.extui %eq3A_582 : vector<512x1024xi1> to vector<512x1024xi32>
    %convert_element_type3A_584 = arith.sitofp %convert_element_type3A_583 : vector<512x1024xi32> to vector<512x1024xf32>
    %convert_element_type3A_585 = arith.truncf %convert_element_type3A_584 : vector<512x1024xf32> to vector<512x1024xbf16>
    %convert_element_type3A_586 = arith.truncf %get3A_548 : vector<1024x256xf32> to vector<1024x256xbf16>
    %convert_element_type3A_587 = arith.extf %convert_element_type3A_586 : vector<1024x256xbf16> to vector<1024x256xf32>
    %sub3A_588 = arith.subf %get3A_548, %convert_element_type3A_587 : vector<1024x256xf32>
    %convert_element_type3A_589 = arith.truncf %sub3A_588 : vector<1024x256xf32> to vector<1024x256xbf16>
    %dot_general3A_590 = arith.constant dense<0.000000e+00> : vector<512x256xf32>
    %dot_general3A_591 = tpu.matmul %convert_element_type3A_585, %convert_element_type3A_586, %dot_general3A_590 {dimension_numbers = #tpu.dot_dimension_numbers<[1], [0], [0], [1], [0, 0, 1, 1], [], []>, transpose_lhs_hint = false} : vector<512x1024xbf16>, vector<1024x256xbf16>, vector<512x256xf32> -> vector<512x256xf32>
    %dot_general3A_592 = arith.constant dense<0.000000e+00> : vector<512x256xf32>
    %dot_general3A_593 = tpu.matmul %convert_element_type3A_585, %convert_element_type3A_589, %dot_general3A_592 {dimension_numbers = #tpu.dot_dimension_numbers<[1], [0], [0], [1], [0, 0, 1, 1], [], []>, transpose_lhs_hint = false} : vector<512x1024xbf16>, vector<1024x256xbf16>, vector<512x256xf32> -> vector<512x256xf32>
    %add3A_594 = arith.addf %dot_general3A_591, %dot_general3A_593 : vector<512x256xf32>
    %concatenate3A_595 = tpu.concatenate %add3A_537, %add3A_594 in 1 : vector<512x256xf32>, vector<512x256xf32> -> vector<512x512xf32>
    %sub3A_596 = arith.subf %sub3A_473, %concatenate3A_595 : vector<512x512xf32>
    %add3A_597 = arith.addf %add3A_474, %concatenate3A_595 : vector<512x512xf32>
    %mul3A_598 = arith.mulf %sub3A_596, %sub3A_596 : vector<512x512xf32>
    %reduce_sum3A_599 = vector.shape_cast %mul3A_598 : vector<512x512xf32> to vector<1x512x512xf32>
    %reduce_sum3A_600 = arith.constant dense<0.000000e+00> : vector<1xf32>
    %reduce_sum3A_601 = vector.multi_reduction <add>, %reduce_sum3A_599, %reduce_sum3A_600 [1, 2] : vector<1x512x512xf32> to vector<1xf32>
    %reduce_sum3A_602 = vector.shape_cast %reduce_sum3A_601 : vector<1xf32> to vector<1x1x1xf32>
    %reduce_sum3A_603 = vector.extract %reduce_sum3A_602[0, 0, 0] : f32 from vector<1x1x1xf32>
    %slice3A_604 = vector.extract_strided_slice %sub3A_596 {offsets = [0, 0], sizes = [512, 256], strides = [1, 1]} : vector<512x512xf32> to vector<512x256xf32>
    %mul3A_605 = arith.mulf %slice3A_604, %slice3A_604 : vector<512x256xf32>
    %reduce_sum3A_606 = arith.constant dense<0.000000e+00> : vector<512xf32>
    %reduce_sum3A_607 = vector.multi_reduction <add>, %mul3A_605, %reduce_sum3A_606 [1] : vector<512x256xf32> to vector<512xf32>
    %broadcast_in_dim3A_608 = vector.shape_cast %reduce_sum3A_607 : vector<512xf32> to vector<512x1xf32>
    %get3A_609 = arith.constant 5 : index
    %get3A_610 = arith.constant 0 : index
    %get3A_611 = arith.constant 0 : index
    %get3A_612 = arith.constant 0 : index
    %get3A_613 = vector.load %arg2[%get3A_609, %get3A_610, %get3A_611, %get3A_612] : memref<8x2x1024x256xf32, #tpu.memory_space<vmem>>, vector<1x1x1024x256xf32>
    %get3A_614 = vector.shape_cast %get3A_613 : vector<1x1x1024x256xf32> to vector<1024x256xf32>
    %dot_general3A_615 = arith.constant dense<0.000000e+00> : vector<512x1024xf32>
    %dot_general3A_616 = tpu.matmul %slice3A_604, %get3A_614, %dot_general3A_615 {dimension_numbers = #tpu.dot_dimension_numbers<[1], [1], [0], [0], [0, 0, 1, 0], [], []>, transpose_lhs_hint = false} : vector<512x256xf32>, vector<1024x256xf32>, vector<512x1024xf32> -> vector<512x1024xf32>
    %get3A_617 = arith.constant 10 : index
    %get3A_618 = arith.constant 0 : index
    %get3A_619 = vector.load %arg3[%get3A_617, %get3A_618] : memref<16x1024xf32, #tpu.memory_space<vmem>>, vector<1x1024xf32>
    %get3A_620 = vector.shape_cast %get3A_619 : vector<1x1024xf32> to vector<1024xf32>
    %broadcast_in_dim3A_621 = vector.shape_cast %get3A_620 : vector<1024xf32> to vector<1x1024xf32>
    %add3A_622 = vector.broadcast %broadcast_in_dim3A_608 : vector<512x1xf32> to vector<512x1024xf32>
    %add3A_623 = vector.broadcast %broadcast_in_dim3A_621 : vector<1x1024xf32> to vector<512x1024xf32>
    %add3A_624 = arith.addf %add3A_622, %add3A_623 : vector<512x1024xf32>
    %mul3A_625 = arith.constant 2.000000e+00 : f32
    %mul3A_626 = vector.broadcast %mul3A_625 : f32 to vector<512x1024xf32>
    %mul3A_627 = arith.mulf %mul3A_626, %dot_general3A_616 : vector<512x1024xf32>
    %sub3A_628 = arith.subf %add3A_624, %mul3A_627 : vector<512x1024xf32>
    %reduce_min3A_629 = arith.constant dense<0x7F800000> : vector<512xf32>
    %reduce_min3A_630 = vector.multi_reduction <minimumf>, %sub3A_628, %reduce_min3A_629 [1] : vector<512x1024xf32> to vector<512xf32>
    %broadcast_in_dim3A_631 = vector.shape_cast %reduce_min3A_630 : vector<512xf32> to vector<512x1xf32>
    %iota3A_632 = tpu.iota {dimensions = array<i32: 1>} : vector<512x1024xi32>
    %eq3A_633 = vector.broadcast %broadcast_in_dim3A_631 : vector<512x1xf32> to vector<512x1024xf32>
    %eq3A_634 = arith.cmpf oeq, %sub3A_628, %eq3A_633 : vector<512x1024xf32>
    %jit3A_635 = arith.constant 1024 : i32
    %broadcast_in_dim3A_636 = vector.broadcast %jit3A_635 : i32 to vector<512x1024xi32>
    %select_n3A_637 = arith.select %eq3A_634, %iota3A_632, %broadcast_in_dim3A_636 : vector<512x1024xi1>, vector<512x1024xi32>
    %reduce_min3A_638 = arith.constant dense<2147483647> : vector<512xi32>
    %reduce_min3A_639 = vector.multi_reduction <minsi>, %select_n3A_637, %reduce_min3A_638 [1] : vector<512x1024xi32> to vector<512xi32>
    %swap3A_640 = arith.constant 0 : index
    %swap3A_641 = arith.constant 10 : index
    %swap3A_642 = arith.constant 0 : index
    %swap3A_643 = vector.load %arg5[%swap3A_640, %swap3A_641, %swap3A_642] : memref<1x16x512xi32, #tpu.memory_space<vmem>>, vector<1x1x512xi32>
    %swap3A_644 = vector.shape_cast %swap3A_643 : vector<1x1x512xi32> to vector<512xi32>
    %swap3A_645 = vector.shape_cast %reduce_min3A_639 : vector<512xi32> to vector<1x1x512xi32>
    tpu.vector_store %arg5[%swap3A_640, %swap3A_641, %swap3A_642], %swap3A_645 {strides = array<i32>} : memref<1x16x512xi32, #tpu.memory_space<vmem>>, vector<1x1x512xi32>,
    %broadcast_in_dim3A_646 = vector.shape_cast %reduce_min3A_639 : vector<512xi32> to vector<512x1xi32>
    %eq3A_647 = vector.broadcast %broadcast_in_dim3A_646 : vector<512x1xi32> to vector<512x1024xi32>
    %eq3A_648 = arith.cmpi eq, %iota3A_632, %eq3A_647 : vector<512x1024xi32>
    %convert_element_type3A_649 = arith.extui %eq3A_648 : vector<512x1024xi1> to vector<512x1024xi32>
    %convert_element_type3A_650 = arith.sitofp %convert_element_type3A_649 : vector<512x1024xi32> to vector<512x1024xf32>
    %convert_element_type3A_651 = arith.truncf %convert_element_type3A_650 : vector<512x1024xf32> to vector<512x1024xbf16>
    %convert_element_type3A_652 = arith.truncf %get3A_614 : vector<1024x256xf32> to vector<1024x256xbf16>
    %convert_element_type3A_653 = arith.extf %convert_element_type3A_652 : vector<1024x256xbf16> to vector<1024x256xf32>
    %sub3A_654 = arith.subf %get3A_614, %convert_element_type3A_653 : vector<1024x256xf32>
    %convert_element_type3A_655 = arith.truncf %sub3A_654 : vector<1024x256xf32> to vector<1024x256xbf16>
    %dot_general3A_656 = arith.constant dense<0.000000e+00> : vector<512x256xf32>
    %dot_general3A_657 = tpu.matmul %convert_element_type3A_651, %convert_element_type3A_652, %dot_general3A_656 {dimension_numbers = #tpu.dot_dimension_numbers<[1], [0], [0], [1], [0, 0, 1, 1], [], []>, transpose_lhs_hint = false} : vector<512x1024xbf16>, vector<1024x256xbf16>, vector<512x256xf32> -> vector<512x256xf32>
    %dot_general3A_658 = arith.constant dense<0.000000e+00> : vector<512x256xf32>
    %dot_general3A_659 = tpu.matmul %convert_element_type3A_651, %convert_element_type3A_655, %dot_general3A_658 {dimension_numbers = #tpu.dot_dimension_numbers<[1], [0], [0], [1], [0, 0, 1, 1], [], []>, transpose_lhs_hint = false} : vector<512x1024xbf16>, vector<1024x256xbf16>, vector<512x256xf32> -> vector<512x256xf32>
    %add3A_660 = arith.addf %dot_general3A_657, %dot_general3A_659 : vector<512x256xf32>
    %slice3A_661 = vector.extract_strided_slice %sub3A_596 {offsets = [0, 256], sizes = [512, 256], strides = [1, 1]} : vector<512x512xf32> to vector<512x256xf32>
    %mul3A_662 = arith.mulf %slice3A_661, %slice3A_661 : vector<512x256xf32>
    %reduce_sum3A_663 = arith.constant dense<0.000000e+00> : vector<512xf32>
    %reduce_sum3A_664 = vector.multi_reduction <add>, %mul3A_662, %reduce_sum3A_663 [1] : vector<512x256xf32> to vector<512xf32>
    %broadcast_in_dim3A_665 = vector.shape_cast %reduce_sum3A_664 : vector<512xf32> to vector<512x1xf32>
    %get3A_666 = arith.constant 5 : index
    %get3A_667 = arith.constant 1 : index
    %get3A_668 = arith.constant 0 : index
    %get3A_669 = arith.constant 0 : index
    %get3A_670 = vector.load %arg2[%get3A_666, %get3A_667, %get3A_668, %get3A_669] : memref<8x2x1024x256xf32, #tpu.memory_space<vmem>>, vector<1x1x1024x256xf32>
    %get3A_671 = vector.shape_cast %get3A_670 : vector<1x1x1024x256xf32> to vector<1024x256xf32>
    %dot_general3A_672 = arith.constant dense<0.000000e+00> : vector<512x1024xf32>
    %dot_general3A_673 = tpu.matmul %slice3A_661, %get3A_671, %dot_general3A_672 {dimension_numbers = #tpu.dot_dimension_numbers<[1], [1], [0], [0], [0, 0, 1, 0], [], []>, transpose_lhs_hint = false} : vector<512x256xf32>, vector<1024x256xf32>, vector<512x1024xf32> -> vector<512x1024xf32>
    %get3A_674 = arith.constant 11 : index
    %get3A_675 = arith.constant 0 : index
    %get3A_676 = vector.load %arg3[%get3A_674, %get3A_675] : memref<16x1024xf32, #tpu.memory_space<vmem>>, vector<1x1024xf32>
    %get3A_677 = vector.shape_cast %get3A_676 : vector<1x1024xf32> to vector<1024xf32>
    %broadcast_in_dim3A_678 = vector.shape_cast %get3A_677 : vector<1024xf32> to vector<1x1024xf32>
    %add3A_679 = vector.broadcast %broadcast_in_dim3A_665 : vector<512x1xf32> to vector<512x1024xf32>
    %add3A_680 = vector.broadcast %broadcast_in_dim3A_678 : vector<1x1024xf32> to vector<512x1024xf32>
    %add3A_681 = arith.addf %add3A_679, %add3A_680 : vector<512x1024xf32>
    %mul3A_682 = arith.constant 2.000000e+00 : f32
    %mul3A_683 = vector.broadcast %mul3A_682 : f32 to vector<512x1024xf32>
    %mul3A_684 = arith.mulf %mul3A_683, %dot_general3A_673 : vector<512x1024xf32>
    %sub3A_685 = arith.subf %add3A_681, %mul3A_684 : vector<512x1024xf32>
    %reduce_min3A_686 = arith.constant dense<0x7F800000> : vector<512xf32>
    %reduce_min3A_687 = vector.multi_reduction <minimumf>, %sub3A_685, %reduce_min3A_686 [1] : vector<512x1024xf32> to vector<512xf32>
    %broadcast_in_dim3A_688 = vector.shape_cast %reduce_min3A_687 : vector<512xf32> to vector<512x1xf32>
    %iota3A_689 = tpu.iota {dimensions = array<i32: 1>} : vector<512x1024xi32>
    %eq3A_690 = vector.broadcast %broadcast_in_dim3A_688 : vector<512x1xf32> to vector<512x1024xf32>
    %eq3A_691 = arith.cmpf oeq, %sub3A_685, %eq3A_690 : vector<512x1024xf32>
    %jit3A_692 = arith.constant 1024 : i32
    %broadcast_in_dim3A_693 = vector.broadcast %jit3A_692 : i32 to vector<512x1024xi32>
    %select_n3A_694 = arith.select %eq3A_691, %iota3A_689, %broadcast_in_dim3A_693 : vector<512x1024xi1>, vector<512x1024xi32>
    %reduce_min3A_695 = arith.constant dense<2147483647> : vector<512xi32>
    %reduce_min3A_696 = vector.multi_reduction <minsi>, %select_n3A_694, %reduce_min3A_695 [1] : vector<512x1024xi32> to vector<512xi32>
    %swap3A_697 = arith.constant 0 : index
    %swap3A_698 = arith.constant 11 : index
    %swap3A_699 = arith.constant 0 : index
    %swap3A_700 = vector.load %arg5[%swap3A_697, %swap3A_698, %swap3A_699] : memref<1x16x512xi32, #tpu.memory_space<vmem>>, vector<1x1x512xi32>
    %swap3A_701 = vector.shape_cast %swap3A_700 : vector<1x1x512xi32> to vector<512xi32>
    %swap3A_702 = vector.shape_cast %reduce_min3A_696 : vector<512xi32> to vector<1x1x512xi32>
    tpu.vector_store %arg5[%swap3A_697, %swap3A_698, %swap3A_699], %swap3A_702 {strides = array<i32>} : memref<1x16x512xi32, #tpu.memory_space<vmem>>, vector<1x1x512xi32>,
    %broadcast_in_dim3A_703 = vector.shape_cast %reduce_min3A_696 : vector<512xi32> to vector<512x1xi32>
    %eq3A_704 = vector.broadcast %broadcast_in_dim3A_703 : vector<512x1xi32> to vector<512x1024xi32>
    %eq3A_705 = arith.cmpi eq, %iota3A_689, %eq3A_704 : vector<512x1024xi32>
    %convert_element_type3A_706 = arith.extui %eq3A_705 : vector<512x1024xi1> to vector<512x1024xi32>
    %convert_element_type3A_707 = arith.sitofp %convert_element_type3A_706 : vector<512x1024xi32> to vector<512x1024xf32>
    %convert_element_type3A_708 = arith.truncf %convert_element_type3A_707 : vector<512x1024xf32> to vector<512x1024xbf16>
    %convert_element_type3A_709 = arith.truncf %get3A_671 : vector<1024x256xf32> to vector<1024x256xbf16>
    %convert_element_type3A_710 = arith.extf %convert_element_type3A_709 : vector<1024x256xbf16> to vector<1024x256xf32>
    %sub3A_711 = arith.subf %get3A_671, %convert_element_type3A_710 : vector<1024x256xf32>
    %convert_element_type3A_712 = arith.truncf %sub3A_711 : vector<1024x256xf32> to vector<1024x256xbf16>
    %dot_general3A_713 = arith.constant dense<0.000000e+00> : vector<512x256xf32>
    %dot_general3A_714 = tpu.matmul %convert_element_type3A_708, %convert_element_type3A_709, %dot_general3A_713 {dimension_numbers = #tpu.dot_dimension_numbers<[1], [0], [0], [1], [0, 0, 1, 1], [], []>, transpose_lhs_hint = false} : vector<512x1024xbf16>, vector<1024x256xbf16>, vector<512x256xf32> -> vector<512x256xf32>
    %dot_general3A_715 = arith.constant dense<0.000000e+00> : vector<512x256xf32>
    %dot_general3A_716 = tpu.matmul %convert_element_type3A_708, %convert_element_type3A_712, %dot_general3A_715 {dimension_numbers = #tpu.dot_dimension_numbers<[1], [0], [0], [1], [0, 0, 1, 1], [], []>, transpose_lhs_hint = false} : vector<512x1024xbf16>, vector<1024x256xbf16>, vector<512x256xf32> -> vector<512x256xf32>
    %add3A_717 = arith.addf %dot_general3A_714, %dot_general3A_716 : vector<512x256xf32>
    %concatenate3A_718 = tpu.concatenate %add3A_660, %add3A_717 in 1 : vector<512x256xf32>, vector<512x256xf32> -> vector<512x512xf32>
    %sub3A_719 = arith.subf %sub3A_596, %concatenate3A_718 : vector<512x512xf32>
    %add3A_720 = arith.addf %add3A_597, %concatenate3A_718 : vector<512x512xf32>
    %mul3A_721 = arith.mulf %sub3A_719, %sub3A_719 : vector<512x512xf32>
    %reduce_sum3A_722 = vector.shape_cast %mul3A_721 : vector<512x512xf32> to vector<1x512x512xf32>
    %reduce_sum3A_723 = arith.constant dense<0.000000e+00> : vector<1xf32>
    %reduce_sum3A_724 = vector.multi_reduction <add>, %reduce_sum3A_722, %reduce_sum3A_723 [1, 2] : vector<1x512x512xf32> to vector<1xf32>
    %reduce_sum3A_725 = vector.shape_cast %reduce_sum3A_724 : vector<1xf32> to vector<1x1x1xf32>
    %reduce_sum3A_726 = vector.extract %reduce_sum3A_725[0, 0, 0] : f32 from vector<1x1x1xf32>
    %slice3A_727 = vector.extract_strided_slice %sub3A_719 {offsets = [0, 0], sizes = [512, 256], strides = [1, 1]} : vector<512x512xf32> to vector<512x256xf32>
    %mul3A_728 = arith.mulf %slice3A_727, %slice3A_727 : vector<512x256xf32>
    %reduce_sum3A_729 = arith.constant dense<0.000000e+00> : vector<512xf32>
    %reduce_sum3A_730 = vector.multi_reduction <add>, %mul3A_728, %reduce_sum3A_729 [1] : vector<512x256xf32> to vector<512xf32>
    %broadcast_in_dim3A_731 = vector.shape_cast %reduce_sum3A_730 : vector<512xf32> to vector<512x1xf32>
    %get3A_732 = arith.constant 6 : index
    %get3A_733 = arith.constant 0 : index
    %get3A_734 = arith.constant 0 : index
    %get3A_735 = arith.constant 0 : index
    %get3A_736 = vector.load %arg2[%get3A_732, %get3A_733, %get3A_734, %get3A_735] : memref<8x2x1024x256xf32, #tpu.memory_space<vmem>>, vector<1x1x1024x256xf32>
    %get3A_737 = vector.shape_cast %get3A_736 : vector<1x1x1024x256xf32> to vector<1024x256xf32>
    %dot_general3A_738 = arith.constant dense<0.000000e+00> : vector<512x1024xf32>
    %dot_general3A_739 = tpu.matmul %slice3A_727, %get3A_737, %dot_general3A_738 {dimension_numbers = #tpu.dot_dimension_numbers<[1], [1], [0], [0], [0, 0, 1, 0], [], []>, transpose_lhs_hint = false} : vector<512x256xf32>, vector<1024x256xf32>, vector<512x1024xf32> -> vector<512x1024xf32>
    %get3A_740 = arith.constant 12 : index
    %get3A_741 = arith.constant 0 : index
    %get3A_742 = vector.load %arg3[%get3A_740, %get3A_741] : memref<16x1024xf32, #tpu.memory_space<vmem>>, vector<1x1024xf32>
    %get3A_743 = vector.shape_cast %get3A_742 : vector<1x1024xf32> to vector<1024xf32>
    %broadcast_in_dim3A_744 = vector.shape_cast %get3A_743 : vector<1024xf32> to vector<1x1024xf32>
    %add3A_745 = vector.broadcast %broadcast_in_dim3A_731 : vector<512x1xf32> to vector<512x1024xf32>
    %add3A_746 = vector.broadcast %broadcast_in_dim3A_744 : vector<1x1024xf32> to vector<512x1024xf32>
    %add3A_747 = arith.addf %add3A_745, %add3A_746 : vector<512x1024xf32>
    %mul3A_748 = arith.constant 2.000000e+00 : f32
    %mul3A_749 = vector.broadcast %mul3A_748 : f32 to vector<512x1024xf32>
    %mul3A_750 = arith.mulf %mul3A_749, %dot_general3A_739 : vector<512x1024xf32>
    %sub3A_751 = arith.subf %add3A_747, %mul3A_750 : vector<512x1024xf32>
    %reduce_min3A_752 = arith.constant dense<0x7F800000> : vector<512xf32>
    %reduce_min3A_753 = vector.multi_reduction <minimumf>, %sub3A_751, %reduce_min3A_752 [1] : vector<512x1024xf32> to vector<512xf32>
    %broadcast_in_dim3A_754 = vector.shape_cast %reduce_min3A_753 : vector<512xf32> to vector<512x1xf32>
    %iota3A_755 = tpu.iota {dimensions = array<i32: 1>} : vector<512x1024xi32>
    %eq3A_756 = vector.broadcast %broadcast_in_dim3A_754 : vector<512x1xf32> to vector<512x1024xf32>
    %eq3A_757 = arith.cmpf oeq, %sub3A_751, %eq3A_756 : vector<512x1024xf32>
    %jit3A_758 = arith.constant 1024 : i32
    %broadcast_in_dim3A_759 = vector.broadcast %jit3A_758 : i32 to vector<512x1024xi32>
    %select_n3A_760 = arith.select %eq3A_757, %iota3A_755, %broadcast_in_dim3A_759 : vector<512x1024xi1>, vector<512x1024xi32>
    %reduce_min3A_761 = arith.constant dense<2147483647> : vector<512xi32>
    %reduce_min3A_762 = vector.multi_reduction <minsi>, %select_n3A_760, %reduce_min3A_761 [1] : vector<512x1024xi32> to vector<512xi32>
    %swap3A_763 = arith.constant 0 : index
    %swap3A_764 = arith.constant 12 : index
    %swap3A_765 = arith.constant 0 : index
    %swap3A_766 = vector.load %arg5[%swap3A_763, %swap3A_764, %swap3A_765] : memref<1x16x512xi32, #tpu.memory_space<vmem>>, vector<1x1x512xi32>
    %swap3A_767 = vector.shape_cast %swap3A_766 : vector<1x1x512xi32> to vector<512xi32>
    %swap3A_768 = vector.shape_cast %reduce_min3A_762 : vector<512xi32> to vector<1x1x512xi32>
    tpu.vector_store %arg5[%swap3A_763, %swap3A_764, %swap3A_765], %swap3A_768 {strides = array<i32>} : memref<1x16x512xi32, #tpu.memory_space<vmem>>, vector<1x1x512xi32>,
    %broadcast_in_dim3A_769 = vector.shape_cast %reduce_min3A_762 : vector<512xi32> to vector<512x1xi32>
    %eq3A_770 = vector.broadcast %broadcast_in_dim3A_769 : vector<512x1xi32> to vector<512x1024xi32>
    %eq3A_771 = arith.cmpi eq, %iota3A_755, %eq3A_770 : vector<512x1024xi32>
    %convert_element_type3A_772 = arith.extui %eq3A_771 : vector<512x1024xi1> to vector<512x1024xi32>
    %convert_element_type3A_773 = arith.sitofp %convert_element_type3A_772 : vector<512x1024xi32> to vector<512x1024xf32>
    %convert_element_type3A_774 = arith.truncf %convert_element_type3A_773 : vector<512x1024xf32> to vector<512x1024xbf16>
    %convert_element_type3A_775 = arith.truncf %get3A_737 : vector<1024x256xf32> to vector<1024x256xbf16>
    %convert_element_type3A_776 = arith.extf %convert_element_type3A_775 : vector<1024x256xbf16> to vector<1024x256xf32>
    %sub3A_777 = arith.subf %get3A_737, %convert_element_type3A_776 : vector<1024x256xf32>
    %convert_element_type3A_778 = arith.truncf %sub3A_777 : vector<1024x256xf32> to vector<1024x256xbf16>
    %dot_general3A_779 = arith.constant dense<0.000000e+00> : vector<512x256xf32>
    %dot_general3A_780 = tpu.matmul %convert_element_type3A_774, %convert_element_type3A_775, %dot_general3A_779 {dimension_numbers = #tpu.dot_dimension_numbers<[1], [0], [0], [1], [0, 0, 1, 1], [], []>, transpose_lhs_hint = false} : vector<512x1024xbf16>, vector<1024x256xbf16>, vector<512x256xf32> -> vector<512x256xf32>
    %dot_general3A_781 = arith.constant dense<0.000000e+00> : vector<512x256xf32>
    %dot_general3A_782 = tpu.matmul %convert_element_type3A_774, %convert_element_type3A_778, %dot_general3A_781 {dimension_numbers = #tpu.dot_dimension_numbers<[1], [0], [0], [1], [0, 0, 1, 1], [], []>, transpose_lhs_hint = false} : vector<512x1024xbf16>, vector<1024x256xbf16>, vector<512x256xf32> -> vector<512x256xf32>
    %add3A_783 = arith.addf %dot_general3A_780, %dot_general3A_782 : vector<512x256xf32>
    %slice3A_784 = vector.extract_strided_slice %sub3A_719 {offsets = [0, 256], sizes = [512, 256], strides = [1, 1]} : vector<512x512xf32> to vector<512x256xf32>
    %mul3A_785 = arith.mulf %slice3A_784, %slice3A_784 : vector<512x256xf32>
    %reduce_sum3A_786 = arith.constant dense<0.000000e+00> : vector<512xf32>
    %reduce_sum3A_787 = vector.multi_reduction <add>, %mul3A_785, %reduce_sum3A_786 [1] : vector<512x256xf32> to vector<512xf32>
    %broadcast_in_dim3A_788 = vector.shape_cast %reduce_sum3A_787 : vector<512xf32> to vector<512x1xf32>
    %get3A_789 = arith.constant 6 : index
    %get3A_790 = arith.constant 1 : index
    %get3A_791 = arith.constant 0 : index
    %get3A_792 = arith.constant 0 : index
    %get3A_793 = vector.load %arg2[%get3A_789, %get3A_790, %get3A_791, %get3A_792] : memref<8x2x1024x256xf32, #tpu.memory_space<vmem>>, vector<1x1x1024x256xf32>
    %get3A_794 = vector.shape_cast %get3A_793 : vector<1x1x1024x256xf32> to vector<1024x256xf32>
    %dot_general3A_795 = arith.constant dense<0.000000e+00> : vector<512x1024xf32>
    %dot_general3A_796 = tpu.matmul %slice3A_784, %get3A_794, %dot_general3A_795 {dimension_numbers = #tpu.dot_dimension_numbers<[1], [1], [0], [0], [0, 0, 1, 0], [], []>, transpose_lhs_hint = false} : vector<512x256xf32>, vector<1024x256xf32>, vector<512x1024xf32> -> vector<512x1024xf32>
    %get3A_797 = arith.constant 13 : index
    %get3A_798 = arith.constant 0 : index
    %get3A_799 = vector.load %arg3[%get3A_797, %get3A_798] : memref<16x1024xf32, #tpu.memory_space<vmem>>, vector<1x1024xf32>
    %get3A_800 = vector.shape_cast %get3A_799 : vector<1x1024xf32> to vector<1024xf32>
    %broadcast_in_dim3A_801 = vector.shape_cast %get3A_800 : vector<1024xf32> to vector<1x1024xf32>
    %add3A_802 = vector.broadcast %broadcast_in_dim3A_788 : vector<512x1xf32> to vector<512x1024xf32>
    %add3A_803 = vector.broadcast %broadcast_in_dim3A_801 : vector<1x1024xf32> to vector<512x1024xf32>
    %add3A_804 = arith.addf %add3A_802, %add3A_803 : vector<512x1024xf32>
    %mul3A_805 = arith.constant 2.000000e+00 : f32
    %mul3A_806 = vector.broadcast %mul3A_805 : f32 to vector<512x1024xf32>
    %mul3A_807 = arith.mulf %mul3A_806, %dot_general3A_796 : vector<512x1024xf32>
    %sub3A_808 = arith.subf %add3A_804, %mul3A_807 : vector<512x1024xf32>
    %reduce_min3A_809 = arith.constant dense<0x7F800000> : vector<512xf32>
    %reduce_min3A_810 = vector.multi_reduction <minimumf>, %sub3A_808, %reduce_min3A_809 [1] : vector<512x1024xf32> to vector<512xf32>
    %broadcast_in_dim3A_811 = vector.shape_cast %reduce_min3A_810 : vector<512xf32> to vector<512x1xf32>
    %iota3A_812 = tpu.iota {dimensions = array<i32: 1>} : vector<512x1024xi32>
    %eq3A_813 = vector.broadcast %broadcast_in_dim3A_811 : vector<512x1xf32> to vector<512x1024xf32>
    %eq3A_814 = arith.cmpf oeq, %sub3A_808, %eq3A_813 : vector<512x1024xf32>
    %jit3A_815 = arith.constant 1024 : i32
    %broadcast_in_dim3A_816 = vector.broadcast %jit3A_815 : i32 to vector<512x1024xi32>
    %select_n3A_817 = arith.select %eq3A_814, %iota3A_812, %broadcast_in_dim3A_816 : vector<512x1024xi1>, vector<512x1024xi32>
    %reduce_min3A_818 = arith.constant dense<2147483647> : vector<512xi32>
    %reduce_min3A_819 = vector.multi_reduction <minsi>, %select_n3A_817, %reduce_min3A_818 [1] : vector<512x1024xi32> to vector<512xi32>
    %swap3A_820 = arith.constant 0 : index
    %swap3A_821 = arith.constant 13 : index
    %swap3A_822 = arith.constant 0 : index
    %swap3A_823 = vector.load %arg5[%swap3A_820, %swap3A_821, %swap3A_822] : memref<1x16x512xi32, #tpu.memory_space<vmem>>, vector<1x1x512xi32>
    %swap3A_824 = vector.shape_cast %swap3A_823 : vector<1x1x512xi32> to vector<512xi32>
    %swap3A_825 = vector.shape_cast %reduce_min3A_819 : vector<512xi32> to vector<1x1x512xi32>
    tpu.vector_store %arg5[%swap3A_820, %swap3A_821, %swap3A_822], %swap3A_825 {strides = array<i32>} : memref<1x16x512xi32, #tpu.memory_space<vmem>>, vector<1x1x512xi32>,
    %broadcast_in_dim3A_826 = vector.shape_cast %reduce_min3A_819 : vector<512xi32> to vector<512x1xi32>
    %eq3A_827 = vector.broadcast %broadcast_in_dim3A_826 : vector<512x1xi32> to vector<512x1024xi32>
    %eq3A_828 = arith.cmpi eq, %iota3A_812, %eq3A_827 : vector<512x1024xi32>
    %convert_element_type3A_829 = arith.extui %eq3A_828 : vector<512x1024xi1> to vector<512x1024xi32>
    %convert_element_type3A_830 = arith.sitofp %convert_element_type3A_829 : vector<512x1024xi32> to vector<512x1024xf32>
    %convert_element_type3A_831 = arith.truncf %convert_element_type3A_830 : vector<512x1024xf32> to vector<512x1024xbf16>
    %convert_element_type3A_832 = arith.truncf %get3A_794 : vector<1024x256xf32> to vector<1024x256xbf16>
    %convert_element_type3A_833 = arith.extf %convert_element_type3A_832 : vector<1024x256xbf16> to vector<1024x256xf32>
    %sub3A_834 = arith.subf %get3A_794, %convert_element_type3A_833 : vector<1024x256xf32>
    %convert_element_type3A_835 = arith.truncf %sub3A_834 : vector<1024x256xf32> to vector<1024x256xbf16>
    %dot_general3A_836 = arith.constant dense<0.000000e+00> : vector<512x256xf32>
    %dot_general3A_837 = tpu.matmul %convert_element_type3A_831, %convert_element_type3A_832, %dot_general3A_836 {dimension_numbers = #tpu.dot_dimension_numbers<[1], [0], [0], [1], [0, 0, 1, 1], [], []>, transpose_lhs_hint = false} : vector<512x1024xbf16>, vector<1024x256xbf16>, vector<512x256xf32> -> vector<512x256xf32>
    %dot_general3A_838 = arith.constant dense<0.000000e+00> : vector<512x256xf32>
    %dot_general3A_839 = tpu.matmul %convert_element_type3A_831, %convert_element_type3A_835, %dot_general3A_838 {dimension_numbers = #tpu.dot_dimension_numbers<[1], [0], [0], [1], [0, 0, 1, 1], [], []>, transpose_lhs_hint = false} : vector<512x1024xbf16>, vector<1024x256xbf16>, vector<512x256xf32> -> vector<512x256xf32>
    %add3A_840 = arith.addf %dot_general3A_837, %dot_general3A_839 : vector<512x256xf32>
    %concatenate3A_841 = tpu.concatenate %add3A_783, %add3A_840 in 1 : vector<512x256xf32>, vector<512x256xf32> -> vector<512x512xf32>
    %sub3A_842 = arith.subf %sub3A_719, %concatenate3A_841 : vector<512x512xf32>
    %add3A_843 = arith.addf %add3A_720, %concatenate3A_841 : vector<512x512xf32>
    %mul3A_844 = arith.mulf %sub3A_842, %sub3A_842 : vector<512x512xf32>
    %reduce_sum3A_845 = vector.shape_cast %mul3A_844 : vector<512x512xf32> to vector<1x512x512xf32>
    %reduce_sum3A_846 = arith.constant dense<0.000000e+00> : vector<1xf32>
    %reduce_sum3A_847 = vector.multi_reduction <add>, %reduce_sum3A_845, %reduce_sum3A_846 [1, 2] : vector<1x512x512xf32> to vector<1xf32>
    %reduce_sum3A_848 = vector.shape_cast %reduce_sum3A_847 : vector<1xf32> to vector<1x1x1xf32>
    %reduce_sum3A_849 = vector.extract %reduce_sum3A_848[0, 0, 0] : f32 from vector<1x1x1xf32>
    %slice3A_850 = vector.extract_strided_slice %sub3A_842 {offsets = [0, 0], sizes = [512, 256], strides = [1, 1]} : vector<512x512xf32> to vector<512x256xf32>
    %mul3A_851 = arith.mulf %slice3A_850, %slice3A_850 : vector<512x256xf32>
    %reduce_sum3A_852 = arith.constant dense<0.000000e+00> : vector<512xf32>
    %reduce_sum3A_853 = vector.multi_reduction <add>, %mul3A_851, %reduce_sum3A_852 [1] : vector<512x256xf32> to vector<512xf32>
    %broadcast_in_dim3A_854 = vector.shape_cast %reduce_sum3A_853 : vector<512xf32> to vector<512x1xf32>
    %get3A_855 = arith.constant 7 : index
    %get3A_856 = arith.constant 0 : index
    %get3A_857 = arith.constant 0 : index
    %get3A_858 = arith.constant 0 : index
    %get3A_859 = vector.load %arg2[%get3A_855, %get3A_856, %get3A_857, %get3A_858] : memref<8x2x1024x256xf32, #tpu.memory_space<vmem>>, vector<1x1x1024x256xf32>
    %get3A_860 = vector.shape_cast %get3A_859 : vector<1x1x1024x256xf32> to vector<1024x256xf32>
    %dot_general3A_861 = arith.constant dense<0.000000e+00> : vector<512x1024xf32>
    %dot_general3A_862 = tpu.matmul %slice3A_850, %get3A_860, %dot_general3A_861 {dimension_numbers = #tpu.dot_dimension_numbers<[1], [1], [0], [0], [0, 0, 1, 0], [], []>, transpose_lhs_hint = false} : vector<512x256xf32>, vector<1024x256xf32>, vector<512x1024xf32> -> vector<512x1024xf32>
    %get3A_863 = arith.constant 14 : index
    %get3A_864 = arith.constant 0 : index
    %get3A_865 = vector.load %arg3[%get3A_863, %get3A_864] : memref<16x1024xf32, #tpu.memory_space<vmem>>, vector<1x1024xf32>
    %get3A_866 = vector.shape_cast %get3A_865 : vector<1x1024xf32> to vector<1024xf32>
    %broadcast_in_dim3A_867 = vector.shape_cast %get3A_866 : vector<1024xf32> to vector<1x1024xf32>
    %add3A_868 = vector.broadcast %broadcast_in_dim3A_854 : vector<512x1xf32> to vector<512x1024xf32>
    %add3A_869 = vector.broadcast %broadcast_in_dim3A_867 : vector<1x1024xf32> to vector<512x1024xf32>
    %add3A_870 = arith.addf %add3A_868, %add3A_869 : vector<512x1024xf32>
    %mul3A_871 = arith.constant 2.000000e+00 : f32
    %mul3A_872 = vector.broadcast %mul3A_871 : f32 to vector<512x1024xf32>
    %mul3A_873 = arith.mulf %mul3A_872, %dot_general3A_862 : vector<512x1024xf32>
    %sub3A_874 = arith.subf %add3A_870, %mul3A_873 : vector<512x1024xf32>
    %reduce_min3A_875 = arith.constant dense<0x7F800000> : vector<512xf32>
    %reduce_min3A_876 = vector.multi_reduction <minimumf>, %sub3A_874, %reduce_min3A_875 [1] : vector<512x1024xf32> to vector<512xf32>
    %broadcast_in_dim3A_877 = vector.shape_cast %reduce_min3A_876 : vector<512xf32> to vector<512x1xf32>
    %iota3A_878 = tpu.iota {dimensions = array<i32: 1>} : vector<512x1024xi32>
    %eq3A_879 = vector.broadcast %broadcast_in_dim3A_877 : vector<512x1xf32> to vector<512x1024xf32>
    %eq3A_880 = arith.cmpf oeq, %sub3A_874, %eq3A_879 : vector<512x1024xf32>
    %jit3A_881 = arith.constant 1024 : i32
    %broadcast_in_dim3A_882 = vector.broadcast %jit3A_881 : i32 to vector<512x1024xi32>
    %select_n3A_883 = arith.select %eq3A_880, %iota3A_878, %broadcast_in_dim3A_882 : vector<512x1024xi1>, vector<512x1024xi32>
    %reduce_min3A_884 = arith.constant dense<2147483647> : vector<512xi32>
    %reduce_min3A_885 = vector.multi_reduction <minsi>, %select_n3A_883, %reduce_min3A_884 [1] : vector<512x1024xi32> to vector<512xi32>
    %swap3A_886 = arith.constant 0 : index
    %swap3A_887 = arith.constant 14 : index
    %swap3A_888 = arith.constant 0 : index
    %swap3A_889 = vector.load %arg5[%swap3A_886, %swap3A_887, %swap3A_888] : memref<1x16x512xi32, #tpu.memory_space<vmem>>, vector<1x1x512xi32>
    %swap3A_890 = vector.shape_cast %swap3A_889 : vector<1x1x512xi32> to vector<512xi32>
    %swap3A_891 = vector.shape_cast %reduce_min3A_885 : vector<512xi32> to vector<1x1x512xi32>
    tpu.vector_store %arg5[%swap3A_886, %swap3A_887, %swap3A_888], %swap3A_891 {strides = array<i32>} : memref<1x16x512xi32, #tpu.memory_space<vmem>>, vector<1x1x512xi32>,
    %broadcast_in_dim3A_892 = vector.shape_cast %reduce_min3A_885 : vector<512xi32> to vector<512x1xi32>
    %eq3A_893 = vector.broadcast %broadcast_in_dim3A_892 : vector<512x1xi32> to vector<512x1024xi32>
    %eq3A_894 = arith.cmpi eq, %iota3A_878, %eq3A_893 : vector<512x1024xi32>
    %convert_element_type3A_895 = arith.extui %eq3A_894 : vector<512x1024xi1> to vector<512x1024xi32>
    %convert_element_type3A_896 = arith.sitofp %convert_element_type3A_895 : vector<512x1024xi32> to vector<512x1024xf32>
    %convert_element_type3A_897 = arith.truncf %convert_element_type3A_896 : vector<512x1024xf32> to vector<512x1024xbf16>
    %convert_element_type3A_898 = arith.truncf %get3A_860 : vector<1024x256xf32> to vector<1024x256xbf16>
    %convert_element_type3A_899 = arith.extf %convert_element_type3A_898 : vector<1024x256xbf16> to vector<1024x256xf32>
    %sub3A_900 = arith.subf %get3A_860, %convert_element_type3A_899 : vector<1024x256xf32>
    %convert_element_type3A_901 = arith.truncf %sub3A_900 : vector<1024x256xf32> to vector<1024x256xbf16>
    %dot_general3A_902 = arith.constant dense<0.000000e+00> : vector<512x256xf32>
    %dot_general3A_903 = tpu.matmul %convert_element_type3A_897, %convert_element_type3A_898, %dot_general3A_902 {dimension_numbers = #tpu.dot_dimension_numbers<[1], [0], [0], [1], [0, 0, 1, 1], [], []>, transpose_lhs_hint = false} : vector<512x1024xbf16>, vector<1024x256xbf16>, vector<512x256xf32> -> vector<512x256xf32>
    %dot_general3A_904 = arith.constant dense<0.000000e+00> : vector<512x256xf32>
    %dot_general3A_905 = tpu.matmul %convert_element_type3A_897, %convert_element_type3A_901, %dot_general3A_904 {dimension_numbers = #tpu.dot_dimension_numbers<[1], [0], [0], [1], [0, 0, 1, 1], [], []>, transpose_lhs_hint = false} : vector<512x1024xbf16>, vector<1024x256xbf16>, vector<512x256xf32> -> vector<512x256xf32>
    %add3A_906 = arith.addf %dot_general3A_903, %dot_general3A_905 : vector<512x256xf32>
    %slice3A_907 = vector.extract_strided_slice %sub3A_842 {offsets = [0, 256], sizes = [512, 256], strides = [1, 1]} : vector<512x512xf32> to vector<512x256xf32>
    %mul3A_908 = arith.mulf %slice3A_907, %slice3A_907 : vector<512x256xf32>
    %reduce_sum3A_909 = arith.constant dense<0.000000e+00> : vector<512xf32>
    %reduce_sum3A_910 = vector.multi_reduction <add>, %mul3A_908, %reduce_sum3A_909 [1] : vector<512x256xf32> to vector<512xf32>
    %broadcast_in_dim3A_911 = vector.shape_cast %reduce_sum3A_910 : vector<512xf32> to vector<512x1xf32>
    %get3A_912 = arith.constant 7 : index
    %get3A_913 = arith.constant 1 : index
    %get3A_914 = arith.constant 0 : index
    %get3A_915 = arith.constant 0 : index
    %get3A_916 = vector.load %arg2[%get3A_912, %get3A_913, %get3A_914, %get3A_915] : memref<8x2x1024x256xf32, #tpu.memory_space<vmem>>, vector<1x1x1024x256xf32>
    %get3A_917 = vector.shape_cast %get3A_916 : vector<1x1x1024x256xf32> to vector<1024x256xf32>
    %dot_general3A_918 = arith.constant dense<0.000000e+00> : vector<512x1024xf32>
    %dot_general3A_919 = tpu.matmul %slice3A_907, %get3A_917, %dot_general3A_918 {dimension_numbers = #tpu.dot_dimension_numbers<[1], [1], [0], [0], [0, 0, 1, 0], [], []>, transpose_lhs_hint = false} : vector<512x256xf32>, vector<1024x256xf32>, vector<512x1024xf32> -> vector<512x1024xf32>
    %get3A_920 = arith.constant 15 : index
    %get3A_921 = arith.constant 0 : index
    %get3A_922 = vector.load %arg3[%get3A_920, %get3A_921] : memref<16x1024xf32, #tpu.memory_space<vmem>>, vector<1x1024xf32>
    %get3A_923 = vector.shape_cast %get3A_922 : vector<1x1024xf32> to vector<1024xf32>
    %broadcast_in_dim3A_924 = vector.shape_cast %get3A_923 : vector<1024xf32> to vector<1x1024xf32>
    %add3A_925 = vector.broadcast %broadcast_in_dim3A_911 : vector<512x1xf32> to vector<512x1024xf32>
    %add3A_926 = vector.broadcast %broadcast_in_dim3A_924 : vector<1x1024xf32> to vector<512x1024xf32>
    %add3A_927 = arith.addf %add3A_925, %add3A_926 : vector<512x1024xf32>
    %mul3A_928 = arith.constant 2.000000e+00 : f32
    %mul3A_929 = vector.broadcast %mul3A_928 : f32 to vector<512x1024xf32>
    %mul3A_930 = arith.mulf %mul3A_929, %dot_general3A_919 : vector<512x1024xf32>
    %sub3A_931 = arith.subf %add3A_927, %mul3A_930 : vector<512x1024xf32>
    %reduce_min3A_932 = arith.constant dense<0x7F800000> : vector<512xf32>
    %reduce_min3A_933 = vector.multi_reduction <minimumf>, %sub3A_931, %reduce_min3A_932 [1] : vector<512x1024xf32> to vector<512xf32>
    %broadcast_in_dim3A_934 = vector.shape_cast %reduce_min3A_933 : vector<512xf32> to vector<512x1xf32>
    %iota3A_935 = tpu.iota {dimensions = array<i32: 1>} : vector<512x1024xi32>
    %eq3A_936 = vector.broadcast %broadcast_in_dim3A_934 : vector<512x1xf32> to vector<512x1024xf32>
    %eq3A_937 = arith.cmpf oeq, %sub3A_931, %eq3A_936 : vector<512x1024xf32>
    %jit3A_938 = arith.constant 1024 : i32
    %broadcast_in_dim3A_939 = vector.broadcast %jit3A_938 : i32 to vector<512x1024xi32>
    %select_n3A_940 = arith.select %eq3A_937, %iota3A_935, %broadcast_in_dim3A_939 : vector<512x1024xi1>, vector<512x1024xi32>
    %reduce_min3A_941 = arith.constant dense<2147483647> : vector<512xi32>
    %reduce_min3A_942 = vector.multi_reduction <minsi>, %select_n3A_940, %reduce_min3A_941 [1] : vector<512x1024xi32> to vector<512xi32>
    %swap3A_943 = arith.constant 0 : index
    %swap3A_944 = arith.constant 15 : index
    %swap3A_945 = arith.constant 0 : index
    %swap3A_946 = vector.load %arg5[%swap3A_943, %swap3A_944, %swap3A_945] : memref<1x16x512xi32, #tpu.memory_space<vmem>>, vector<1x1x512xi32>
    %swap3A_947 = vector.shape_cast %swap3A_946 : vector<1x1x512xi32> to vector<512xi32>
    %swap3A_948 = vector.shape_cast %reduce_min3A_942 : vector<512xi32> to vector<1x1x512xi32>
    tpu.vector_store %arg5[%swap3A_943, %swap3A_944, %swap3A_945], %swap3A_948 {strides = array<i32>} : memref<1x16x512xi32, #tpu.memory_space<vmem>>, vector<1x1x512xi32>,
    %broadcast_in_dim3A_949 = vector.shape_cast %reduce_min3A_942 : vector<512xi32> to vector<512x1xi32>
    %eq3A_950 = vector.broadcast %broadcast_in_dim3A_949 : vector<512x1xi32> to vector<512x1024xi32>
    %eq3A_951 = arith.cmpi eq, %iota3A_935, %eq3A_950 : vector<512x1024xi32>
    %convert_element_type3A_952 = arith.extui %eq3A_951 : vector<512x1024xi1> to vector<512x1024xi32>
    %convert_element_type3A_953 = arith.sitofp %convert_element_type3A_952 : vector<512x1024xi32> to vector<512x1024xf32>
    %convert_element_type3A_954 = arith.truncf %convert_element_type3A_953 : vector<512x1024xf32> to vector<512x1024xbf16>
    %convert_element_type3A_955 = arith.truncf %get3A_917 : vector<1024x256xf32> to vector<1024x256xbf16>
    %convert_element_type3A_956 = arith.extf %convert_element_type3A_955 : vector<1024x256xbf16> to vector<1024x256xf32>
    %sub3A_957 = arith.subf %get3A_917, %convert_element_type3A_956 : vector<1024x256xf32>
    %convert_element_type3A_958 = arith.truncf %sub3A_957 : vector<1024x256xf32> to vector<1024x256xbf16>
    %dot_general3A_959 = arith.constant dense<0.000000e+00> : vector<512x256xf32>
    %dot_general3A_960 = tpu.matmul %convert_element_type3A_954, %convert_element_type3A_955, %dot_general3A_959 {dimension_numbers = #tpu.dot_dimension_numbers<[1], [0], [0], [1], [0, 0, 1, 1], [], []>, transpose_lhs_hint = false} : vector<512x1024xbf16>, vector<1024x256xbf16>, vector<512x256xf32> -> vector<512x256xf32>
    %dot_general3A_961 = arith.constant dense<0.000000e+00> : vector<512x256xf32>
    %dot_general3A_962 = tpu.matmul %convert_element_type3A_954, %convert_element_type3A_958, %dot_general3A_961 {dimension_numbers = #tpu.dot_dimension_numbers<[1], [0], [0], [1], [0, 0, 1, 1], [], []>, transpose_lhs_hint = false} : vector<512x1024xbf16>, vector<1024x256xbf16>, vector<512x256xf32> -> vector<512x256xf32>
    %add3A_963 = arith.addf %dot_general3A_960, %dot_general3A_962 : vector<512x256xf32>
    %concatenate3A_964 = tpu.concatenate %add3A_906, %add3A_963 in 1 : vector<512x256xf32>, vector<512x256xf32> -> vector<512x512xf32>
    %sub3A_965 = arith.subf %sub3A_842, %concatenate3A_964 : vector<512x512xf32>
    %add3A_966 = arith.addf %add3A_843, %concatenate3A_964 : vector<512x512xf32>
    %mul3A_967 = arith.mulf %sub3A_965, %sub3A_965 : vector<512x512xf32>
    %reduce_sum3A_968 = vector.shape_cast %mul3A_967 : vector<512x512xf32> to vector<1x512x512xf32>
    %reduce_sum3A_969 = arith.constant dense<0.000000e+00> : vector<1xf32>
    %reduce_sum3A_970 = vector.multi_reduction <add>, %reduce_sum3A_968, %reduce_sum3A_969 [1, 2] : vector<1x512x512xf32> to vector<1xf32>
    %reduce_sum3A_971 = vector.shape_cast %reduce_sum3A_970 : vector<1xf32> to vector<1x1x1xf32>
    %reduce_sum3A_972 = vector.extract %reduce_sum3A_971[0, 0, 0] : f32 from vector<1x1x1xf32>
    %swap3A_973 = arith.constant 0 : index
    %swap3A_974 = arith.constant 0 : index
    %swap3A_975 = vector.load %arg4[%swap3A_973, %swap3A_974] : memref<512x512xf32, #tpu.memory_space<vmem>>, vector<512x512xf32>
    tpu.vector_store %arg4[%swap3A_973, %swap3A_974], %add3A_966 {strides = array<i32>} : memref<512x512xf32, #tpu.memory_space<vmem>>, vector<512x512xf32>,
    %stack3A = vector.broadcast %reduce_sum3A_111 : f32 to vector<1xf32>
    %stack3A_976 = vector.broadcast %reduce_sum3A_234 : f32 to vector<1xf32>
    %stack3A_977 = vector.broadcast %reduce_sum3A_357 : f32 to vector<1xf32>
    %stack3A_978 = vector.broadcast %reduce_sum3A_480 : f32 to vector<1xf32>
    %stack3A_979 = vector.broadcast %reduce_sum3A_603 : f32 to vector<1xf32>
    %stack3A_980 = vector.broadcast %reduce_sum3A_726 : f32 to vector<1xf32>
    %stack3A_981 = vector.broadcast %reduce_sum3A_849 : f32 to vector<1xf32>
    %stack3A_982 = vector.broadcast %reduce_sum3A_972 : f32 to vector<1xf32>
    %stack3A_983 = tpu.concatenate %stack3A, %stack3A_976, %stack3A_977, %stack3A_978, %stack3A_979, %stack3A_980, %stack3A_981, %stack3A_982 in 0 : vector<1xf32>, vector<1xf32>, vector<1xf32>, vector<1xf32>, vector<1xf32>, vector<1xf32>, vector<1xf32>, vector<1xf32> -> vector<8xf32>
    %broadcast_in_dim3A_984 = vector.shape_cast %stack3A_983 : vector<8xf32> to vector<8x1xf32>
    %broadcast_in_dim3A_985 = arith.constant 1.000000e+00 : f32
    %broadcast_in_dim3A_986 = vector.broadcast %broadcast_in_dim3A_985 : f32 to vector<1x128xf32>
    %mul3A_987 = vector.broadcast %broadcast_in_dim3A_984 : vector<8x1xf32> to vector<8x128xf32>
    %mul3A_988 = vector.broadcast %broadcast_in_dim3A_986 : vector<1x128xf32> to vector<8x128xf32>
    %mul3A_989 = arith.mulf %mul3A_987, %mul3A_988 : vector<8x128xf32>
    %eq3A_990 = arith.constant 0 : i32
    %eq3A_991 = arith.cmpi eq, %arg0, %eq3A_990 : i32
    %convert_element_type3A_992 = arith.extui %eq3A_991 : i1 to i32
    %cond3A = arith.constant 0 : i32
    %cond3A_993 = arith.cmpi ne, %convert_element_type3A_992, %cond3A : i32
    scf.if %cond3A_993 {
      %broadcast_in_dim3A_1001 = arith.constant 0.000000e+00 : f32
      %broadcast_in_dim3A_1002 = vector.broadcast %broadcast_in_dim3A_1001 : f32 to vector<8x128xf32>
      %swap3A_1003 = arith.constant 0 : index
      %swap3A_1004 = arith.constant 0 : index
      %swap3A_1005 = vector.load %arg6[%swap3A_1003, %swap3A_1004] : memref<8x128xf32, #tpu.memory_space<vmem>>, vector<8x128xf32>
      tpu.vector_store %arg6[%swap3A_1003, %swap3A_1004], %broadcast_in_dim3A_1002 {strides = array<i32>} : memref<8x128xf32, #tpu.memory_space<vmem>>, vector<8x128xf32>,
    } else {
    }
    %get3A_994 = arith.constant 0 : index
    %get3A_995 = arith.constant 0 : index
    %get3A_996 = vector.load %arg6[%get3A_994, %get3A_995] : memref<8x128xf32, #tpu.memory_space<vmem>>, vector<8x128xf32>
    %add3A_997 = arith.addf %get3A_996, %mul3A_989 : vector<8x128xf32>
    %swap3A_998 = arith.constant 0 : index
    %swap3A_999 = arith.constant 0 : index
    %swap3A_1000 = vector.load %arg6[%swap3A_998, %swap3A_999] : memref<8x128xf32, #tpu.memory_space<vmem>>, vector<8x128xf32>
    tpu.vector_store %arg6[%swap3A_998, %swap3A_999], %add3A_997 {strides = array<i32>} : memref<8x128xf32, #tpu.memory_space<vmem>>, vector<8x128xf32>,
    return
  }
  func.func @transform_0(%arg0: i32) -> (i32, i32) {
    %c0_i32 = arith.constant 0 : i32
    %c0_i32_0 = arith.constant 0 : i32
    return %arg0, %c0_i32 : i32, i32
  }
  func.func @transform_1(%arg0: i32) -> (i32, i32, i32, i32) {
    %c0_i32 = arith.constant 0 : i32
    %c0_i32_0 = arith.constant 0 : i32
    %c0_i32_1 = arith.constant 0 : i32
    %c0_i32_2 = arith.constant 0 : i32
    %c0_i32_3 = arith.constant 0 : i32
    return %c0_i32, %c0_i32_0, %c0_i32_1, %c0_i32_2 : i32, i32, i32, i32
  }
  func.func @transform_2(%arg0: i32) -> (i32, i32) {
    %c0_i32 = arith.constant 0 : i32
    %c0_i32_0 = arith.constant 0 : i32
    %c0_i32_1 = arith.constant 0 : i32
    return %c0_i32, %c0_i32_0 : i32, i32
  }
  func.func @transform_3(%arg0: i32) -> (i32, i32) {
    %c0_i32 = arith.constant 0 : i32
    %c0_i32_0 = arith.constant 0 : i32
    return %arg0, %c0_i32 : i32, i32
  }
  func.func @transform_4(%arg0: i32) -> (i32, i32, i32) {
    %c0_i32 = arith.constant 0 : i32
    %c0_i32_0 = arith.constant 0 : i32
    %c0_i32_1 = arith.constant 0 : i32
    return %arg0, %c0_i32, %c0_i32_0 : i32, i32, i32
  }
  func.func @transform_5(%arg0: i32) -> (i32, i32) {
    %c0_i32 = arith.constant 0 : i32
    %c0_i32_0 = arith.constant 0 : i32
    %c0_i32_1 = arith.constant 0 : i32
    return %c0_i32, %c0_i32_0 : i32, i32
  }
}

module attributes {stable_mosaic.version = 14 : i64} {
  func.func @_ce_body(%arg0: i32, %arg1: memref<1x1024x256xf32, #tpu.memory_space<vmem>>, %arg2: memref<1x8x128xf32, #tpu.memory_space<vmem>>) attributes {dimension_semantics = [#tpu.dimension_semantics<arbitrary>], iteration_bounds = array<i64: 2>, scalar_prefetch = 0 : i64, scratch_operands = 0 : i64, tpu.core_type = #tpu.core_type<tc>, window_params = [{transform_indices = @transform_0, window_bounds = array<i64: 1, 1024, 256>}, {transform_indices = @transform_1, window_bounds = array<i64: 1, 8, 128>}]} {
    %get3A = arith.constant 0 : index
    %get3A_0 = arith.constant 0 : index
    %get3A_1 = arith.constant 0 : index
    %get3A_2 = vector.load %arg1[%get3A, %get3A_0, %get3A_1] : memref<1x1024x256xf32, #tpu.memory_space<vmem>>, vector<1x1024x256xf32>
    %get3A_3 = vector.shape_cast %get3A_2 : vector<1x1024x256xf32> to vector<1024x256xf32>
    %dot_general3A = arith.constant dense<0.000000e+00> : vector<1024x1024xf32>
    %dot_general3A_4 = tpu.matmul %get3A_3, %get3A_3, %dot_general3A {dimension_numbers = #tpu.dot_dimension_numbers<[1], [1], [0], [0], [0, 0, 1, 0], [], []>, precision = #tpu.contract_precision<fp32>, transpose_lhs_hint = false} : vector<1024x256xf32>, vector<1024x256xf32>, vector<1024x1024xf32> -> vector<1024x1024xf32>
    %mul3A = arith.constant 3.000000e+00 : f32
    %mul3A_5 = vector.broadcast %mul3A : f32 to vector<1024x1024xf32>
    %mul3A_6 = arith.mulf %mul3A_5, %dot_general3A_4 : vector<1024x1024xf32>
    %reduce_max3A = arith.constant dense<0xFF800000> : vector<1024xf32>
    %reduce_max3A_7 = vector.multi_reduction <maximumf>, %mul3A_6, %reduce_max3A [1] : vector<1024x1024xf32> to vector<1024xf32>
    %broadcast_in_dim3A = vector.shape_cast %reduce_max3A_7 : vector<1024xf32> to vector<1024x1xf32>
    %sub3A = vector.broadcast %broadcast_in_dim3A : vector<1024x1xf32> to vector<1024x1024xf32>
    %sub3A_8 = arith.subf %mul3A_6, %sub3A : vector<1024x1024xf32>
    %exp3A = math.exp %sub3A_8 : vector<1024x1024xf32>
    %reduce_sum3A = arith.constant dense<0.000000e+00> : vector<1024xf32>
    %reduce_sum3A_9 = vector.multi_reduction <add>, %exp3A, %reduce_sum3A [1] : vector<1024x1024xf32> to vector<1024xf32>
    %broadcast_in_dim3A_10 = vector.shape_cast %reduce_sum3A_9 : vector<1024xf32> to vector<1024x1xf32>
    %log3A = math.log %broadcast_in_dim3A_10 : vector<1024x1xf32>
    %add3A = arith.addf %log3A, %broadcast_in_dim3A : vector<1024x1xf32>
    %mul3A_11 = arith.mulf %get3A_3, %get3A_3 : vector<1024x256xf32>
    %reduce_sum3A_12 = arith.constant dense<0.000000e+00> : vector<1024xf32>
    %reduce_sum3A_13 = vector.multi_reduction <add>, %mul3A_11, %reduce_sum3A_12 [1] : vector<1024x256xf32> to vector<1024xf32>
    %broadcast_in_dim3A_14 = vector.shape_cast %reduce_sum3A_13 : vector<1024xf32> to vector<1024x1xf32>
    %mul3A_15 = arith.constant 3.000000e+00 : f32
    %mul3A_16 = vector.broadcast %mul3A_15 : f32 to vector<1024x1xf32>
    %mul3A_17 = arith.mulf %mul3A_16, %broadcast_in_dim3A_14 : vector<1024x1xf32>
    %sub3A_18 = arith.subf %add3A, %mul3A_17 : vector<1024x1xf32>
    %reduce_sum3A_19 = vector.shape_cast %sub3A_18 : vector<1024x1xf32> to vector<1x1024x1xf32>
    %reduce_sum3A_20 = arith.constant dense<0.000000e+00> : vector<1xf32>
    %reduce_sum3A_21 = vector.multi_reduction <add>, %reduce_sum3A_19, %reduce_sum3A_20 [1, 2] : vector<1x1024x1xf32> to vector<1xf32>
    %reduce_sum3A_22 = vector.shape_cast %reduce_sum3A_21 : vector<1xf32> to vector<1x1x1xf32>
    %reduce_sum3A_23 = vector.extract %reduce_sum3A_22[0, 0, 0] : f32 from vector<1x1x1xf32>
    %div3A = arith.constant 1.024000e+03 : f32
    %div3A_24 = arith.divf %reduce_sum3A_23, %div3A : f32
    %broadcast_in_dim3A_25 = vector.broadcast %div3A_24 : f32 to vector<8x128xf32>
    %swap3A = arith.constant 0 : index
    %swap3A_26 = arith.constant 0 : index
    %swap3A_27 = arith.constant 0 : index
    %swap3A_28 = vector.load %arg2[%swap3A, %swap3A_26, %swap3A_27] : memref<1x8x128xf32, #tpu.memory_space<vmem>>, vector<1x8x128xf32>
    %swap3A_29 = vector.shape_cast %swap3A_28 : vector<1x8x128xf32> to vector<8x128xf32>
    %swap3A_30 = vector.shape_cast %broadcast_in_dim3A_25 : vector<8x128xf32> to vector<1x8x128xf32>
    tpu.vector_store %arg2[%swap3A, %swap3A_26, %swap3A_27], %swap3A_30 {strides = array<i32>} : memref<1x8x128xf32, #tpu.memory_space<vmem>>, vector<1x8x128xf32>,
    return
  }
  func.func @transform_0(%arg0: i32) -> (i32, i32, i32) {
    %c0_i32 = arith.constant 0 : i32
    %c0_i32_0 = arith.constant 0 : i32
    %c0_i32_1 = arith.constant 0 : i32
    return %arg0, %c0_i32, %c0_i32_0 : i32, i32, i32
  }
  func.func @transform_1(%arg0: i32) -> (i32, i32, i32) {
    %c0_i32 = arith.constant 0 : i32
    %c0_i32_0 = arith.constant 0 : i32
    %c0_i32_1 = arith.constant 0 : i32
    return %arg0, %c0_i32, %c0_i32_0 : i32, i32, i32
  }
}

</mosaic_0001>

<sc_bundles>
// kernel: sparse-core-data-format-call.1.cloned.1.call-start
scs
called_computation.1_lowered:
.L_overlay_start_0:
0x0: {  	s2 =	sld [smem:$0x3FD9]  }
0x1: {  	s3 =	sld [smem:$0x3FFE];
	_ =	sdelay $0x1  }
0x2: {  	s1 =	srdreg.scid  }
0x3: {  	s0 =	sand.u32 $0x1, s1  }
0x4: {  	s16 =	sshll.u32 s0, $0xA;
	s2 =	sadd.s32 s3, s2  }
0x5: {  	s2 =	sadd.s32 s2, s16  }
0x6: {  	[smem:$0x3FC6] =	sst s2  }
0x7: {  	_ = 	snop  }
0x8: {  	s2 =	sld [smem:$0x3FD0];
	_ =	sdelay $0x2  }
0x9: {  	s4 =	simm.s32 $0xA;
	s5 =	simm.s32 $0x10;
	s17 =	sld [smem:$0x3FC9]  }
0xa: {  	[smem:s5], [sflag:s4] =	dma.local [hbm:s2], $0x1  }
0xb: {  	_ =	swait.eq [sflag:s4], $0x1  }
0xc: {  	[sflag:s4] =	ssyncset.done $0x0  }
0xd: {  	[sflag:s4] =	ssyncadd.s32 $0xFFFFFFFF  }
0xe: {  	s18 =	sld [smem:$0x10];
	(tm) =	ssettm $0x1  }
0xf: {  	s19 =	sld [smem:$0x3FFB];
	_ =	sdelay $0x3  }
0x10: {  	_ =	strace s19  }
0x11: {  	s4 =	sld [smem:$0x3FFC];
	_ =	sdelay $0x3  }
0x12: {  	_ =	strace s4  }
0x13: {  	s4 =	sld [smem:$0x3FFD];
	_ =	sdelay $0x3  }
0x14: {  	_ =	strace s4  }
0x15: {  	_ =	strace $0x8FFFFFFF  }
0x16: {  	s20 =	sld [smem:$0x3FDB];
	_ =	sdelay $0x1  }
0x17: {  	s21 =	simm.s32 $_scs_section_size  }
0x18: {  	s6 =	simm.s32 $_size__tile_overlayer_lowered;
	s7 =	simm.s32 $_tile_overlayer_lowered  }
0x19: {  	s24 =	simm.s32 $0x1BFF;
	s23 =	sshll.u32 s7, $0x1;
	s4 =	sadd.s32 s21, s20  }
0x1a: {  	s8 =	simm.s32 $0x0;
	s22 =	sshll.u32 s6, $0x1;
	s6 =	sadd.s32 s23, s4  }
0x1b: {  	[timem:s8], [sflag:s24] =	dma.local [hbm:s6], s22  }
0x1c: {  	_ =	swait.ge [sflag:s24], s22  }
0x1d: {  	s5 =	ssub.s32 $0x0, s22;
	[sflag:s24] =	ssyncset.done $0x0  }
0x1e: {  	[sflag:s24] =	ssyncadd.s32 s5;
	_ =	sdelay $0x1  }
0x1f: {  	s25 =	simm.s32 $0x1B8B  }
0x20: {  	_ =	swait.ge [sflag:s25], $0x1  }
0x21: {  	[sflag:s25] =	ssyncset.done $0x0  }
0x22: {  	s26 =	simm.s32 $0x1B8E;
	[sflag:s25] =	ssyncadd.s32 $0xFFFFFFFF  }
0x23: {  	s27 =	simm.s32 $execute0_lowered;
	[smem:$0x3FD2] =	sst s26  }
0x24: {  	s5 =	sshll.u32 s27, $0x1;
	_ =	strace $0x80000046;
	[dreg:$0x1] =	wrdreg $0xFFFFFFFF  }
0x25: {  	s28 =	simm.s32 $_size_execute0_lowered;
	s4 =	sadd.s32 s4, s5;
	[dreg:$0x0] =	wrdreg $0x0  }
0x26: {  	s5 =	sshll.u32 s28, $0x1;
	[dreg:$0x2] =	wrdreg s4  }
0x27: {  	[dreg:$0x3] =	wrdreg s5  }
0x28: {  	[dreg:$0x4] =	wrdreg $0xC0  }
0x29: {  	_ =	task [dreg:s8], $0x5FFFF  }
0x2a: {  	[dreg:$0x1] =	wrdreg $0xFFFFFFFF  }
0x2b: {  	[dreg:$0x0] =	wrdreg $0x60  }
0x2c: {  	[dreg:$0x2] =	wrdreg s17  }
0x2d: {  	[dreg:$0x3] =	wrdreg s18  }
0x2e: {  	[dreg:$0x4] =	wrdreg $0x9  }
0x2f: {  	_ =	task.clear_ibuf [dreg:s8], $0x5FFFF;
	_ =	strace $0x90000046  }
0x30: {  	s29 =	simm.s32 $0x9;
	_ =	strace $0x80000048  }
0x31: {  	_ =	swait.ge [sflag:s29], $0x1  }
0x32: {  	[sflag:s29] =	ssyncadd.s32 $0xFFFFFFFF  }
0x33: {  	_ =	strace $0x90000048  }
0x34: {  	_ =	sfence  }
0x35: {  	s30 =	sld [smem:$0x0];
	_ =	sdelay $0x2  }
0x36: {  	s31 =	sshll.u32 s1, $0xD;
	s1 =	sshrl.u32 s1, $0x2  }
0x37: {  	s3 =	sand.u32 $0x4000, s31;
	s1 =	sadd.s32 s1, s30  }
0x38: {  	s0 =	sor.u32 s3, s0;
	s1 =	sshll.u32 s1, $0x11  }
0x39: {  	s0 =	sor.u32 s1, s0  }
0x3a: {  	s0 =	sadd.s32 $0x8F2B, s0  }
0x3b: {  	[sflag:s0] =	ssyncadd.remote.s32 $0x1  }
0x3c: {  	_ =	sfence.sel $0xFFFF  }
0x3d: {  	[dreg:$0x0] =	wrdreg $0xFFFFFFFF;
	(pc) =	sbr.abs _section_cstart, $3  }
0x3e: {  	[dreg:$0x1] =	wrdreg $0xFFFFFFFF  }
0x3f: {  	_ =	task.clear_ibuf [dreg:s8], $0x2FFFF;
	_ =	strace $0x9FFFFFFF  }
0x40: {  	(tm) =	ssettm $0x7FFFFFFF  }
0x41: {  	_ =	shalt  }
tec
execute0_lowered:
.L_overlay_start_1:
0x0: {  	(tag) =	ssettag $0x1  }
0x1: {  	s0 =	srdreg.scid;
	s1 =	rddreg [dreg:$0x0]  }
0x2: {  	s2 =	rddreg [dreg:$0x1];
	s5 =	simm.s32 $0x1;
	s7 =	simm.s32 $0x2  }
0x3: {  	s15 =	simm.s32 $0x0;
	p0 =	por $0x0, $0x0;
	s0 =	sshll.u32 s0, $0x7  }
0x4: {  	s8 =	simm.s32 $0x1000;
	s13 =	simm.s32 $0x0;
	s3 =	sand.u32 $0x80, s0  }
0x5: {  	s14 =	simm.s32 $0x0;
	s9 =	simm.s32 $0x0;
	s4 =	ssub.s32 $0x200, s3  }
.Ltmp0:
0x6: {  	s11 =	stileid.u32;
	s6 =	sshrl.u32 s4, $0x7;
	(pc) =	sbr.rel .LBB1_1-.Ltmp0, $4  }
0x7: {  	s12 =	simm.s32 $0x0;
	s4 =	sshrl.u32 s4, $0x8;
	s6 =	sand.u32 $0x1, s6  }
0x8: {  	s0 =	rddreg [dreg:$0x2];
	_ =	strace $0x80000047;
	s6 =	sadd.s32 s4, s6  }
0x9: {  	[sflag:s5] =	ssyncpa.u1 $0x0;
	s10 =	smov.u32 s3;
	s6 =	sshll.u32 s6, $0x4  }
0xa: {  	[sflag:s7] =	ssyncpa.u1 $0x0;
	s4 =	stileid.u32;
	s7 =	sor.u32 $0x1, s6  }
.LBB1_4:
0xb: {  	v5 =	vld [tilespmem:s18+$0xFFFFFFD0];
	[tilespmem:s19+$0x2040 ss:$0x81] =	vst.msk $0xffff, v1  }
0xc: {  	v58 =	vld [tilespmem:s18+$0xFFFFFFE0];
	[tilespmem:s19+$0x2850 ss:$0x81] =	vst.msk $0xffff, v2  }
0xd: {  	s20 =	sshra.s32 s20, $0x2;
	v59 =	vld [tilespmem:s18+$0xFFFFFFF0];
	[tilespmem:s19+$0x3060 ss:$0x81] =	vst.msk $0xffff, v3  }
0xe: {  	v60 =	vld [tilespmem:s18+$0x0];
	[tilespmem:s19+$0x0 ss:$0x81] =	vst.msk $0xffff, v0;
	s17 =	sadd.s32 s20, s17  }
0xf: {  	v61 =	vld [tilespmem:s18+$0x10];
	s25 =	sshll.u32 s15, $0x9;
	[tilespmem:s17+$0x3870 ss:$0x81] =	vst.msk $0xffff, v4  }
0x10: {  	s26 =	sshll.u32 s13, $0x3;
	v62 =	vld [tilespmem:s18+$0x20];
	s27 =	sshll.u32 s15, $0x7;
	s30 =	sand.u32 $0x78, s13;
	[tilespmem:s17+$0x810 ss:$0x81] =	vst.msk $0xffff, v5  }
0x11: {  	v63 =	vld [tilespmem:s18+$0xFFFFFFC0];
	s14 =	sshll.u32 s14, $0x11;
	s19 =	sand.u32 $0xFF000, s25;
	s20 =	sand.u32 $0xFFC00, s26;
	[tilespmem:s17+$0x1020 ss:$0x81] =	vst.msk $0xffff, v58  }
0x12: {  	s29 =	sand.u32 $0x200, s27;
	s15 =	sand.u32 $0x180, s27;
	s28 =	sadd.s32 s20, s19;
	[tilespmem:s17+$0x1830 ss:$0x81] =	vst.msk $0xffff, v59  }
0x13: {  	s31 =	sand.u32 $0x7, s13;
	s15 =	sor.u32 s30, s15;
	s18 =	sor.u32 s29, s28;
	[tilespmem:s17+$0x2040 ss:$0x81] =	vst.msk $0xffff, v60  }
0x14: {  	s14 =	sadd.s32 s2, s14;
	s15 =	sshrl.u32 s15, $0x3;
	s18 =	sshrl.u32 s18, $0x3;
	[tilespmem:s17+$0x2850 ss:$0x81] =	vst.msk $0xffff, v61  }
0x15: {  	s13 =	sshll.u32 s31, $0x12;
	s14 =	sadd.s32 s15, s14;
	[tilespmem:s17+$0x3060 ss:$0x81] =	vst.msk $0xffff, v62;
	s18 =	sand.u32 $0x1FFC0, s18  }
0x16: {  	s13 =	sor.u32 $0x400, s13;
	[tilespmem:s17+$0x0 ss:$0x81] =	vst.msk $0xffff, v63;
	s14 =	sadd.s32 s18, s14  }
0x17: {  	[hbm4b:s14+s13] =	stream.strided.scatter [tilespmem:s16], [sflag:$0x2], $0x4000, s8, s13, $0x20;
	[tilespmem:$0x10100] =	vst v63  }
.LBB1_5:
0x18: {  	s16 =	sadd.s32 $0x80, s9  }
0x19: {  	s13 =	sadd.s32 $0x100, s10;
	s17 =	smov.u32 s10;
	p2 =	sgt.s32 s16, $0x7FF  }
0x1a: {  	s17 =	smov.u32 @p2 s13  }
0x1b: {  	s19 =	smov.u32 s11;
	s13 =	sadd.s32 $0x10, s11;
	p3 =	sgt.s32 s17, $0x1FF  }
0x1c: {  	s19 =	smov.u32 @p3 s13  }
0x1d: {  	s16 =	simm.s32 @p2 $0x0;
	p2 =	sgt.s32 s19, $0xF  }
0x1e: {  	p1 =	slt.u32 s12, $0x2;
	s19 =	smov.u32 @p2 s4;
	p2 =	sne.s32 s12, s7  }
.Ltmp1:
0x1f: {  	s18 =	simm.s32 @!p1 $0x2;
	(pc) =	sbr.rel @!p2 .LBB1_6-.Ltmp1, $4  }
0x20: {  	s15 =	smov.u32 s9;
	s14 =	smov.u32 s11;
	_ =	swait.ge @!p1 [sflag:s18], $0x4000  }
0x21: {  	p0 =	por !p0, !p0;
	[sflag:s18] =	ssyncset.done @!p1 $0x0;
	s9 =	smov.u32 s16  }
0x22: {  	s17 =	smov.u32 @p3 s3;
	s13 =	smov.u32 s10;
	[sflag:s18] =	ssyncadd.s32 @!p1 $0xFFFFC000  }
0x23: {  	s10 =	smov.u32 s17;
	s12 =	sadd.s32 $0x1, s12;
	s11 =	smov.u32 s19  }
.LBB1_1:
0x24: {  	p1 =	sge.u32 s12, s6;
	s31 =	sadd.s32 $0xFFFFFFFF, s12  }
0x25: {  	s16 =	sxor.u32 @!p1 $0xFFFFFFFF, s12;
	s17 =	sand.u32 @!p1 $0x78, s9;
	s18 =	sshll.u32 @!p1 s10, $0xB  }
0x26: {  	s19 =	sshll.u32 @!p1 s10, $0x7;
	s20 =	sshll.u32 @!p1 s9, $0x3;
	s16 =	sshll.u32 @!p1 s16, $0xE  }
0x27: {  	s18 =	sand.u32 @!p1 $0xFC000, s18;
	s19 =	sand.u32 @!p1 $0x380, s19;
	s16 =	sand.u32 @!p1 $0x4000, s16  }
0x28: {  	s18 =	sadd.s32 @!p1 s18, s20;
	s20 =	sand.u32 @!p1 $0x400, s20;
	s17 =	sor.u32 @!p1 s19, s17  }
0x29: {  	s19 =	sshll.u32 @!p1 s11, $0x11;
	s17 =	sor.u32 @!p1 s20, s17;
	s18 =	sshrl.u32 @!p1 s18, $0x3  }
0x2a: {  	s19 =	sadd.s32 @!p1 s1, s19;
	s20 =	sand.u32 @!p1 $0x7, s9;
	s18 =	sand.u32 @!p1 $0x1FF00, s18  }
0x2b: {  	s17 =	sshrl.u32 @!p1 s17, $0x3;
	s18 =	sadd.s32 @!p1 s18, s19;
	s19 =	sshll.u32 @!p1 s20, $0x12  }
0x2c: {  	s17 =	sadd.s32 @!p1 s17, s18;
	s18 =	sor.u32 @!p1 $0x400, s19;
	s19 =	simm.s32 @!p1 $0x4000  }
0x2d: {  	[tilespmem:s16], [sflag:$0x1] =	stream.strided.gather @!p1 [hbm4b:s17+s18], $0x4000, s19, s18, $0x38;
	[tilespmem:$0x10100] =	vst v63  }
0x2e: {  	p1 =	sge.u32 s31, s6  }
.Ltmp2:
0x2f: {  	_ = 	snop;
	(pc) =	sbr.rel @p1 .LBB1_5-.Ltmp2, $1  }
0x30: {  	_ =	sdelay $0x3  }
0x31: {  	s16 =	simm.s32 $0x1  }
0x32: {  	_ =	swait.ge [sflag:s5], $0x4000;
	s16 =	simm.s32 @!p0 $0x0  }
0x33: {  	[sflag:s5] =	ssyncset.done $0x0;
	s17 =	sshll.u32 s16, $0xE  }
0x34: {  	[sflag:s5] =	ssyncadd.s32 $0xFFFFC000;
	s18 =	sor.u32 $0x40, s17  }
0x35: {  	s16 =	smul.u32 $0x10200, s16;
	v0 =	vld [tilespmem:s18+$0x30]  }
0x36: {  	v3 =	vld [tilespmem:s18+$0xFFFFFFD0]  }
0x37: {  	s16 =	sshrl.u32 s16, $0x2;
	v4 =	vld [tilespmem:s18+$0xFFFFFFE0]  }
0x38: {  	v5 =	vld [tilespmem:s18+$0xFFFFFFF0];
	s17 =	sor.u32 $0x8000, s16  }
0x39: {  	s31 =	sand.u32 $0x1, s12;
	v1 =	vld [tilespmem:s18+$0x0];
	s19 =	sadd.s32 $0x0, s17  }
0x3a: {  	v2 =	vld [tilespmem:s18+$0x10];
	s16 =	smul.u32 $0x10200, s31;
	[tilespmem:s19+$0x3870 ss:$0x81] =	vst.msk $0xffff, v0  }
0x3b: {  	[tilespmem:s19+$0x810 ss:$0x81] =	vst.msk $0xffff, v3;
	v3 =	vld [tilespmem:s18+$0x20]  }
0x3c: {  	s16 =	sshrl.u32 s16, $0x2;
	v0 =	vld [tilespmem:s18+$0xFFFFFFC0];
	[tilespmem:s19+$0x1020 ss:$0x81] =	vst.msk $0xffff, v4;
	s18 =	sadd.s32 $0x80, s18  }
0x3d: {  	s20 =	simm.s32 $0x4;
	s21 =	simm.s32 $0x8;
	s16 =	sor.u32 $0x8000, s16;
	[tilespmem:s19+$0x1830 ss:$0x81] =	vst.msk $0xffff, v5;
	v4 =	vld [tilespmem:s18+$0x30]  }
.LBB1_3:
0x3e: {  	p1 =	sne.s32 s21, $0x1FC;
	v5 =	vld [tilespmem:s18+$0xFFFFFFD0];
	[tilespmem:s19+$0x2040 ss:$0x81] =	vst.msk $0xffff, v1  }
0x3f: {  	v6 =	vld [tilespmem:s18+$0xFFFFFFE0];
	[tilespmem:s19+$0x2850 ss:$0x81] =	vst.msk $0xffff, v2  }
0x40: {  	s22 =	sshra.s32 s20, $0x2;
	s20 =	smov.u32 s21;
	v7 =	vld [tilespmem:s18+$0xFFFFFFF0];
	[tilespmem:s19+$0x3060 ss:$0x81] =	vst.msk $0xffff, v3  }
.Ltmp3:
0x41: {  	v1 =	vld [tilespmem:s18+$0x0];
	[tilespmem:s19+$0x0 ss:$0x81] =	vst.msk $0xffff, v0;
	s19 =	sadd.s32 s22, s17;
	(pc) =	sbr.rel @p1 .LBB1_3-.Ltmp3, $4  }
0x42: {  	v2 =	vld [tilespmem:s18+$0x10];
	[tilespmem:s19+$0x3870 ss:$0x81] =	vst.msk $0xffff, v4  }
0x43: {  	[tilespmem:s19+$0x810 ss:$0x81] =	vst.msk $0xffff, v5;
	v3 =	vld [tilespmem:s18+$0x20]  }
0x44: {  	v0 =	vld [tilespmem:s18+$0xFFFFFFC0];
	[tilespmem:s19+$0x1020 ss:$0x81] =	vst.msk $0xffff, v6;
	s18 =	sadd.s32 $0x80, s18  }
0x45: {  	s21 =	sadd.s32 $0x4, s21;
	v4 =	vld [tilespmem:s18+$0x30];
	[tilespmem:s19+$0x1830 ss:$0x81] =	vst.msk $0xffff, v7  }
.Ltmp4:
0x46: {  	_ = 	snop;
	(pc) =	sbr.rel .LBB1_4-.Ltmp4, $1  }
0x47: {  	_ =	sdelay $0x3  }
.LBB1_6:
0x48: {  	_ =	sfence.sel $0x180000  }
0x49: {  	s1 =	simm.s32 $0x1;
	[bflag:$0x0] =	sbarrier.arrive $0xFFFF  }
0x4a: {  	s31 =	simm.s32 $0x2;
	[sflag:s1] =	ssyncpa.u1 $0x1  }
0x4b: {  	[sflag:s31] =	ssyncpa.u1 $0x1  }
0x4c: {  	p0 =	sne.s32 s4, $0x0;
	_ =	strace $0x90000047  }
0x4d: {  	s0 =	sadd.s32 @!p0 $0x100000, s0;
	[bflag:$0x2] =	sbarrier.arrive $0xFFFF  }
0x4e: {  	[sflag:s0] =	ssyncadd.tile.s32 @!p0 $0x1;
	_ =	shalt  }
.Lfunc_end1:
_tile_overlayer_lowered:
.L_overlay_start_2:
0x4f: {  	(tag) =	ssettag $0x2  }
0x50: {  	s0 =	rddreg [dreg:$0x0];
	s2 =	stileid.u32  }
0x51: {  	s1 =	rddreg [dreg:$0x1];
	p0 =	sne.s32 s2, $0x0  }
0x52: {  	s3 =	rddreg [dreg:$0x2];
	[bflag:$0x3] =	sbarrier.arrive $0xFFFF;
	s2 =	simm.s32 @!p0 $0x1C01  }
0x53: {  	[timem:s3], [sflag:s2] =	dma.local @!p0 [hbm:s0], s1  }
0x54: {  	s0 =	simm.s32 @!p0 $0x1  }
0x55: {  	_ =	swait.ge @!p0 [sflag:s0], s1  }
0x56: {  	s1 =	ssub.s32 @!p0 $0x0, s1;
	[sflag:s0] =	ssyncset.done @!p0 $0x0  }
0x57: {  	[sflag:s0] =	ssyncadd.s32 @!p0 s1  }
0x58: {  	[bflag:$0x3] =	sbarrier.arrive $0xFFFF  }
0x59: {  	_ =	shalt  }

// kernel: sparse-core-data-format-call.cloned.1.call-start
scs
called_computation_lowered:
.L_overlay_start_0:
0x0: {  	s2 =	sld [smem:$0x3FD9]  }
0x1: {  	s3 =	sld [smem:$0x3FFE];
	_ =	sdelay $0x1  }
0x2: {  	s1 =	srdreg.scid  }
0x3: {  	s0 =	sand.u32 $0x1, s1  }
0x4: {  	s15 =	sshll.u32 s0, $0xA;
	s2 =	sadd.s32 s3, s2  }
0x5: {  	s2 =	sadd.s32 s2, s15  }
0x6: {  	[smem:$0x3FC6] =	sst s2  }
0x7: {  	_ = 	snop  }
0x8: {  	s2 =	sld [smem:$0x3FD0];
	_ =	sdelay $0x2  }
0x9: {  	s16 =	simm.s32 $0xA;
	s4 =	simm.s32 $0x10  }
0xa: {  	[smem:s4], [sflag:s16] =	dma.local [hbm:s2], $0x1  }
0xb: {  	_ =	swait.eq [sflag:s16], $0x1  }
0xc: {  	[sflag:s16] =	ssyncset.done $0x0  }
0xd: {  	[sflag:s16] =	ssyncadd.s32 $0xFFFFFFFF  }
0xe: {  	s17 =	sld [smem:$0x10];
	(tm) =	ssettm $0x1  }
0xf: {  	s18 =	sld [smem:$0x3FFB];
	_ =	sdelay $0x3  }
0x10: {  	_ =	strace s18  }
0x11: {  	s3 =	sld [smem:$0x3FFC];
	_ =	sdelay $0x3  }
0x12: {  	_ =	strace s3  }
0x13: {  	s3 =	sld [smem:$0x3FFD];
	_ =	sdelay $0x3  }
0x14: {  	_ =	strace s3  }
0x15: {  	_ =	strace $0x8FFFFFFF  }
0x16: {  	s19 =	sld [smem:$0x3FDB];
	_ =	sdelay $0x1  }
0x17: {  	s20 =	simm.s32 $_scs_section_size  }
0x18: {  	s5 =	simm.s32 $_size__tile_overlayer_lowered;
	s6 =	simm.s32 $_tile_overlayer_lowered  }
0x19: {  	s23 =	simm.s32 $0x1BFF;
	s22 =	sshll.u32 s6, $0x1;
	s3 =	sadd.s32 s20, s19  }
0x1a: {  	s7 =	simm.s32 $0x0;
	s21 =	sshll.u32 s5, $0x1;
	s5 =	sadd.s32 s22, s3  }
0x1b: {  	[timem:s7], [sflag:s23] =	dma.local [hbm:s5], s21  }
0x1c: {  	_ =	swait.ge [sflag:s23], s21  }
0x1d: {  	s4 =	ssub.s32 $0x0, s21;
	[sflag:s23] =	ssyncset.done $0x0  }
0x1e: {  	[sflag:s23] =	ssyncadd.s32 s4;
	_ =	sdelay $0x1  }
0x1f: {  	s24 =	simm.s32 $0x1B8B  }
0x20: {  	_ =	swait.ge [sflag:s24], $0x1  }
0x21: {  	[sflag:s24] =	ssyncset.done $0x0  }
0x22: {  	s26 =	simm.s32 $0x1B8E;
	s25 =	sld [smem:$0x3FFE];
	[sflag:s24] =	ssyncadd.s32 $0xFFFFFFFF  }
0x23: {  	s27 =	simm.s32 $execute0_lowered;
	[smem:$0x3FD2] =	sst s26  }
0x24: {  	s5 =	sshll.u32 s27, $0x1;
	_ =	strace $0x80000049;
	[dreg:$0x1] =	wrdreg $0xFFFFFFFF  }
0x25: {  	s28 =	simm.s32 $_size_execute0_lowered;
	s3 =	sadd.s32 s3, s5;
	[dreg:$0x0] =	wrdreg $0x0  }
0x26: {  	s5 =	sshll.u32 s28, $0x1;
	[dreg:$0x2] =	wrdreg s3  }
0x27: {  	[dreg:$0x3] =	wrdreg s5  }
0x28: {  	[dreg:$0x4] =	wrdreg $0xC0  }
0x29: {  	_ =	task [dreg:s7], $0x5FFFF  }
0x2a: {  	[dreg:$0x1] =	wrdreg $0xFFFFFFFF  }
0x2b: {  	[dreg:$0x0] =	wrdreg $0x60  }
0x2c: {  	[dreg:$0x2] =	wrdreg s25  }
0x2d: {  	[dreg:$0x3] =	wrdreg s17  }
0x2e: {  	[dreg:$0x4] =	wrdreg $0x9  }
0x2f: {  	_ =	task.clear_ibuf [dreg:s7], $0x5FFFF;
	_ =	strace $0x90000049  }
0x30: {  	s29 =	simm.s32 $0x9;
	_ =	strace $0x8000004B  }
0x31: {  	_ =	swait.ge [sflag:s29], $0x1  }
0x32: {  	[sflag:s29] =	ssyncadd.s32 $0xFFFFFFFF  }
0x33: {  	_ =	strace $0x9000004B  }
0x34: {  	_ =	sfence  }
0x35: {  	s30 =	sld [smem:$0x0];
	_ =	sdelay $0x2  }
0x36: {  	s31 =	sshll.u32 s1, $0xD;
	s1 =	sshrl.u32 s1, $0x2  }
0x37: {  	s3 =	sand.u32 $0x4000, s31;
	s1 =	sadd.s32 s1, s30  }
0x38: {  	s0 =	sor.u32 s3, s0;
	s1 =	sshll.u32 s1, $0x11  }
0x39: {  	s0 =	sor.u32 s1, s0  }
0x3a: {  	s0 =	sadd.s32 $0x8F2B, s0  }
0x3b: {  	[sflag:s0] =	ssyncadd.remote.s32 $0x1  }
0x3c: {  	_ =	sfence.sel $0xFFFF  }
0x3d: {  	[dreg:$0x0] =	wrdreg $0xFFFFFFFF;
	(pc) =	sbr.abs _section_cstart, $3  }
0x3e: {  	[dreg:$0x1] =	wrdreg $0xFFFFFFFF  }
0x3f: {  	_ =	task.clear_ibuf [dreg:s7], $0x2FFFF;
	_ =	strace $0x9FFFFFFF  }
0x40: {  	(tm) =	ssettm $0x7FFFFFFF  }
0x41: {  	_ =	shalt  }
tec
execute0_lowered:
.L_overlay_start_1:
0x0: {  	(tag) =	ssettag $0x1  }
0x1: {  	s0 =	srdreg.scid;
	s1 =	rddreg [dreg:$0x0]  }
0x2: {  	s2 =	rddreg [dreg:$0x1];
	s5 =	simm.s32 $0x1;
	s7 =	simm.s32 $0x2  }
0x3: {  	s15 =	simm.s32 $0x0;
	p0 =	por $0x0, $0x0;
	s0 =	sshll.u32 s0, $0x7  }
0x4: {  	s8 =	simm.s32 $0x4000;
	s13 =	simm.s32 $0x0;
	s3 =	sand.u32 $0x80, s0  }
0x5: {  	s14 =	simm.s32 $0x0;
	s9 =	simm.s32 $0x0;
	s4 =	ssub.s32 $0x800, s3  }
.Ltmp0:
0x6: {  	s11 =	stileid.u32;
	s6 =	sshrl.u32 s4, $0x7;
	(pc) =	sbr.rel .LBB1_1-.Ltmp0, $4  }
0x7: {  	s12 =	simm.s32 $0x0;
	s4 =	sshrl.u32 s4, $0x8;
	s6 =	sand.u32 $0x1, s6  }
0x8: {  	s0 =	rddreg [dreg:$0x2];
	_ =	strace $0x8000004A;
	s6 =	sadd.s32 s4, s6  }
0x9: {  	[sflag:s5] =	ssyncpa.u1 $0x0;
	s10 =	smov.u32 s3;
	s6 =	sshll.u32 s6, $0x2  }
0xa: {  	[sflag:s7] =	ssyncpa.u1 $0x0;
	s4 =	stileid.u32;
	s7 =	sor.u32 $0x1, s6  }
.LBB1_4:
0xb: {  	v5 =	vld [tilespmem:s18+$0xFFFFFFD0];
	[tilespmem:s19+$0x2040 ss:$0x81] =	vst.msk $0xffff, v1  }
0xc: {  	v58 =	vld [tilespmem:s18+$0xFFFFFFE0];
	[tilespmem:s19+$0x2850 ss:$0x81] =	vst.msk $0xffff, v2  }
0xd: {  	s20 =	sshra.s32 s20, $0x2;
	v59 =	vld [tilespmem:s18+$0xFFFFFFF0];
	[tilespmem:s19+$0x3060 ss:$0x81] =	vst.msk $0xffff, v3  }
0xe: {  	v60 =	vld [tilespmem:s18+$0x0];
	[tilespmem:s19+$0x0 ss:$0x81] =	vst.msk $0xffff, v0;
	s17 =	sadd.s32 s20, s17  }
0xf: {  	v61 =	vld [tilespmem:s18+$0x10];
	s26 =	sshll.u32 s15, $0xB;
	[tilespmem:s17+$0x3870 ss:$0x81] =	vst.msk $0xffff, v4  }
0x10: {  	v62 =	vld [tilespmem:s18+$0x20];
	s27 =	sand.u32 $0x78, s13;
	s21 =	sshll.u32 s13, $0x3;
	s29 =	sshll.u32 s15, $0x7;
	[tilespmem:s17+$0x810 ss:$0x81] =	vst.msk $0xffff, v5  }
0x11: {  	v63 =	vld [tilespmem:s18+$0xFFFFFFC0];
	s14 =	sshll.u32 s14, $0x11;
	s19 =	sand.u32 $0xFC000, s26;
	s28 =	sand.u32 $0xFFC00, s21;
	[tilespmem:s17+$0x1020 ss:$0x81] =	vst.msk $0xffff, v58  }
0x12: {  	s31 =	sand.u32 $0x7, s13;
	s21 =	sand.u32 $0x400, s21;
	s18 =	sadd.s32 s28, s19;
	[tilespmem:s17+$0x1830 ss:$0x81] =	vst.msk $0xffff, v59  }
0x13: {  	s15 =	sand.u32 $0x380, s29;
	s30 =	sor.u32 s27, s21;
	s18 =	sshrl.u32 s18, $0x3;
	[tilespmem:s17+$0x2040 ss:$0x81] =	vst.msk $0xffff, v60  }
0x14: {  	s14 =	sadd.s32 s2, s14;
	s15 =	sor.u32 s15, s30;
	s18 =	sand.u32 $0x1FF00, s18;
	[tilespmem:s17+$0x2850 ss:$0x81] =	vst.msk $0xffff, v61  }
0x15: {  	s13 =	sshll.u32 s31, $0x12;
	s15 =	sshrl.u32 s15, $0x3;
	[tilespmem:s17+$0x3060 ss:$0x81] =	vst.msk $0xffff, v62;
	s14 =	sadd.s32 s18, s14  }
0x16: {  	s13 =	sor.u32 $0x400, s13;
	[tilespmem:s17+$0x0 ss:$0x81] =	vst.msk $0xffff, v63;
	s14 =	sadd.s32 s15, s14  }
0x17: {  	[hbm4b:s14+s13] =	stream.strided.scatter [tilespmem:s16], [sflag:$0x2], $0x4000, s8, s13, $0x20;
	[tilespmem:$0x10100] =	vst v63  }
.LBB1_5:
0x18: {  	s16 =	sadd.s32 $0x80, s9  }
0x19: {  	s13 =	sadd.s32 $0x100, s10;
	s17 =	smov.u32 s10;
	p2 =	sgt.s32 s16, $0x1FF  }
0x1a: {  	s17 =	smov.u32 @p2 s13  }
0x1b: {  	s19 =	smov.u32 s11;
	s13 =	sadd.s32 $0x10, s11;
	p3 =	sgt.s32 s17, $0x7FF  }
0x1c: {  	s19 =	smov.u32 @p3 s13  }
0x1d: {  	s16 =	simm.s32 @p2 $0x0;
	p2 =	sgt.s32 s19, $0xF  }
0x1e: {  	p1 =	slt.u32 s12, $0x2;
	s19 =	smov.u32 @p2 s4;
	p2 =	sne.s32 s12, s7  }
.Ltmp1:
0x1f: {  	s18 =	simm.s32 @!p1 $0x2;
	(pc) =	sbr.rel @!p2 .LBB1_6-.Ltmp1, $4  }
0x20: {  	s15 =	smov.u32 s9;
	s14 =	smov.u32 s11;
	_ =	swait.ge @!p1 [sflag:s18], $0x4000  }
0x21: {  	p0 =	por !p0, !p0;
	[sflag:s18] =	ssyncset.done @!p1 $0x0;
	s9 =	smov.u32 s16  }
0x22: {  	s17 =	smov.u32 @p3 s3;
	s13 =	smov.u32 s10;
	[sflag:s18] =	ssyncadd.s32 @!p1 $0xFFFFC000  }
0x23: {  	s10 =	smov.u32 s17;
	s12 =	sadd.s32 $0x1, s12;
	s11 =	smov.u32 s19  }
.LBB1_1:
0x24: {  	p1 =	sge.u32 s12, s6  }
0x25: {  	s31 =	sadd.s32 $0xFFFFFFFF, s12;
	s16 =	sxor.u32 @!p1 $0xFFFFFFFF, s12  }
0x26: {  	s17 =	sshll.u32 @!p1 s10, $0x9;
	s18 =	sshll.u32 @!p1 s9, $0x3;
	s19 =	sshll.u32 @!p1 s10, $0x7  }
0x27: {  	s20 =	sand.u32 @!p1 $0x78, s9;
	s17 =	sand.u32 @!p1 $0xFF000, s17;
	s18 =	sand.u32 @!p1 $0xFFC00, s18  }
0x28: {  	s16 =	sshll.u32 @!p1 s16, $0xE;
	s17 =	sadd.s32 @!p1 s17, s18;
	s18 =	sand.u32 @!p1 $0x200, s19  }
0x29: {  	s16 =	sand.u32 @!p1 $0x4000, s16;
	s17 =	sor.u32 @!p1 s18, s17;
	s18 =	sand.u32 @!p1 $0x180, s19  }
0x2a: {  	s19 =	sshll.u32 @!p1 s11, $0x11;
	s18 =	sor.u32 @!p1 s20, s18;
	s17 =	sshrl.u32 @!p1 s17, $0x3  }
0x2b: {  	s19 =	sadd.s32 @!p1 s1, s19;
	s20 =	sand.u32 @!p1 $0x7, s9;
	s18 =	sshrl.u32 @!p1 s18, $0x3  }
0x2c: {  	s17 =	sand.u32 @!p1 $0x1FFC0, s17;
	s18 =	sadd.s32 @!p1 s18, s19;
	s19 =	sshll.u32 @!p1 s20, $0x12  }
0x2d: {  	s17 =	sadd.s32 @!p1 s17, s18;
	s18 =	sor.u32 @!p1 $0x400, s19;
	s19 =	simm.s32 @!p1 $0x1000  }
0x2e: {  	[tilespmem:s16], [sflag:$0x1] =	stream.strided.gather @!p1 [hbm4b:s17+s18], $0x4000, s19, s18, $0x38;
	[tilespmem:$0x10100] =	vst v63  }
0x2f: {  	p1 =	sge.u32 s31, s6  }
.Ltmp2:
0x30: {  	_ = 	snop;
	(pc) =	sbr.rel @p1 .LBB1_5-.Ltmp2, $1  }
0x31: {  	_ =	sdelay $0x3  }
0x32: {  	s16 =	simm.s32 $0x1  }
0x33: {  	_ =	swait.ge [sflag:s5], $0x4000;
	s16 =	simm.s32 @!p0 $0x0  }
0x34: {  	[sflag:s5] =	ssyncset.done $0x0;
	s17 =	sshll.u32 s16, $0xE  }
0x35: {  	[sflag:s5] =	ssyncadd.s32 $0xFFFFC000;
	s18 =	sor.u32 $0x40, s17  }
0x36: {  	s16 =	smul.u32 $0x10200, s16;
	v0 =	vld [tilespmem:s18+$0x30]  }
0x37: {  	v3 =	vld [tilespmem:s18+$0xFFFFFFD0]  }
0x38: {  	s16 =	sshrl.u32 s16, $0x2;
	v4 =	vld [tilespmem:s18+$0xFFFFFFE0]  }
0x39: {  	v5 =	vld [tilespmem:s18+$0xFFFFFFF0];
	s17 =	sor.u32 $0x8000, s16  }
0x3a: {  	s31 =	sand.u32 $0x1, s12;
	v1 =	vld [tilespmem:s18+$0x0];
	s19 =	sadd.s32 $0x0, s17  }
0x3b: {  	v2 =	vld [tilespmem:s18+$0x10];
	s16 =	smul.u32 $0x10200, s31;
	[tilespmem:s19+$0x3870 ss:$0x81] =	vst.msk $0xffff, v0  }
0x3c: {  	[tilespmem:s19+$0x810 ss:$0x81] =	vst.msk $0xffff, v3;
	v3 =	vld [tilespmem:s18+$0x20]  }
0x3d: {  	s16 =	sshrl.u32 s16, $0x2;
	v0 =	vld [tilespmem:s18+$0xFFFFFFC0];
	[tilespmem:s19+$0x1020 ss:$0x81] =	vst.msk $0xffff, v4;
	s18 =	sadd.s32 $0x80, s18  }
0x3e: {  	s20 =	simm.s32 $0x4;
	s21 =	simm.s32 $0x8;
	s16 =	sor.u32 $0x8000, s16;
	[tilespmem:s19+$0x1830 ss:$0x81] =	vst.msk $0xffff, v5;
	v4 =	vld [tilespmem:s18+$0x30]  }
.LBB1_3:
0x3f: {  	p1 =	sne.s32 s21, $0x1FC;
	v5 =	vld [tilespmem:s18+$0xFFFFFFD0];
	[tilespmem:s19+$0x2040 ss:$0x81] =	vst.msk $0xffff, v1  }
0x40: {  	v6 =	vld [tilespmem:s18+$0xFFFFFFE0];
	[tilespmem:s19+$0x2850 ss:$0x81] =	vst.msk $0xffff, v2  }
0x41: {  	s22 =	sshra.s32 s20, $0x2;
	s20 =	smov.u32 s21;
	v7 =	vld [tilespmem:s18+$0xFFFFFFF0];
	[tilespmem:s19+$0x3060 ss:$0x81] =	vst.msk $0xffff, v3  }
.Ltmp3:
0x42: {  	v1 =	vld [tilespmem:s18+$0x0];
	[tilespmem:s19+$0x0 ss:$0x81] =	vst.msk $0xffff, v0;
	s19 =	sadd.s32 s22, s17;
	(pc) =	sbr.rel @p1 .LBB1_3-.Ltmp3, $4  }
0x43: {  	v2 =	vld [tilespmem:s18+$0x10];
	[tilespmem:s19+$0x3870 ss:$0x81] =	vst.msk $0xffff, v4  }
0x44: {  	[tilespmem:s19+$0x810 ss:$0x81] =	vst.msk $0xffff, v5;
	v3 =	vld [tilespmem:s18+$0x20]  }
0x45: {  	v0 =	vld [tilespmem:s18+$0xFFFFFFC0];
	[tilespmem:s19+$0x1020 ss:$0x81] =	vst.msk $0xffff, v6;
	s18 =	sadd.s32 $0x80, s18  }
0x46: {  	s21 =	sadd.s32 $0x4, s21;
	v4 =	vld [tilespmem:s18+$0x30];
	[tilespmem:s19+$0x1830 ss:$0x81] =	vst.msk $0xffff, v7  }
.Ltmp4:
0x47: {  	_ = 	snop;
	(pc) =	sbr.rel .LBB1_4-.Ltmp4, $1  }
0x48: {  	_ =	sdelay $0x3  }
.LBB1_6:
0x49: {  	_ =	sfence.sel $0x180000  }
0x4a: {  	s1 =	simm.s32 $0x1;
	[bflag:$0x0] =	sbarrier.arrive $0xFFFF  }
0x4b: {  	s31 =	simm.s32 $0x2;
	[sflag:s1] =	ssyncpa.u1 $0x1  }
0x4c: {  	[sflag:s31] =	ssyncpa.u1 $0x1  }
0x4d: {  	p0 =	sne.s32 s4, $0x0;
	_ =	strace $0x9000004A  }
0x4e: {  	s0 =	sadd.s32 @!p0 $0x100000, s0;
	[bflag:$0x2] =	sbarrier.arrive $0xFFFF  }
0x4f: {  	[sflag:s0] =	ssyncadd.tile.s32 @!p0 $0x1;
	_ =	shalt  }
.Lfunc_end1:
_tile_overlayer_lowered:
.L_overlay_start_2:
0x50: {  	(tag) =	ssettag $0x2  }
0x51: {  	s0 =	rddreg [dreg:$0x0];
	s2 =	stileid.u32  }
0x52: {  	s1 =	rddreg [dreg:$0x1];
	p0 =	sne.s32 s2, $0x0  }
0x53: {  	s3 =	rddreg [dreg:$0x2];
	[bflag:$0x3] =	sbarrier.arrive $0xFFFF;
	s2 =	simm.s32 @!p0 $0x1C01  }
0x54: {  	[timem:s3], [sflag:s2] =	dma.local @!p0 [hbm:s0], s1  }
0x55: {  	s0 =	simm.s32 @!p0 $0x1  }
0x56: {  	_ =	swait.ge @!p0 [sflag:s0], s1  }
0x57: {  	s1 =	ssub.s32 @!p0 $0x0, s1;
	[sflag:s0] =	ssyncset.done @!p0 $0x0  }
0x58: {  	[sflag:s0] =	ssyncadd.s32 @!p0 s1  }
0x59: {  	[bflag:$0x3] =	sbarrier.arrive $0xFFFF  }
0x5a: {  	_ =	shalt  }

</sc_bundles>
